<compile_context>
chip_gen: v7x
topology: tpu7x:2x2x1
jax: 0.10.2.dev20260603
libtpu: 0.0.44.dev20260713+nightly
codegen_flags: <defaults>
</compile_context>

<pallas_src>
import jax
import jax.numpy as jnp
from jax import lax
from jax.experimental import pallas as pl
from jax.experimental.pallas import tpu as pltpu
from jax.experimental.pallas import tpu_sc as plsc

N_EDGES = 800000
D = 64
L = 16
NC = 2
NS = 16
NW = NC * NS
C = 640
G = 128
NCHUNK = N_EDGES // C
TPW = -(-NCHUNK // NW)


def _sc_body(et_hbm, tabs_hbm, out_hbm,
             tab15_v, bs_v, cr_v, ctab_v, ctab_sh, idx_v, comb0, comb1,
             comb2, comb3, comb4, rows_v, sem):
    comb_k = [comb0, comb1, comb2, comb3, comb4]
    sid = lax.axis_index("s")
    wid = sid * NC + lax.axis_index("c")

    def _build():
        pltpu.sync_copy(tabs_hbm, tab15_v.at[pl.ds(0, 15 * D)])

        def bs_row(r2, _):
            i = r2 // 6
            j = r2 % 6
            for cg in range(D // L):
                o = cg * L
                bs_v[pl.ds(r2 * D + o, L)] = (tab15_v[pl.ds(i * D + o, L)]
                                              + tab15_v[pl.ds((5 + j) * D + o, L)])
            return 0

        lax.fori_loop(0, 30, bs_row, 0)

        for q in range(4):
            for cg in range(D // L):
                o = cg * L
                cr_v[pl.ds(q * D + o, L)] = (tab15_v[pl.ds((11 + q // 2) * D + o, L)]
                                             + tab15_v[pl.ds((13 + q % 2) * D + o, L)])

        def ctab_row(r, _):
            r2 = r // 4
            q = r % 4
            for cg in range(D // L):
                o = cg * L
                ctab_v[r, pl.ds(o, L)] = (bs_v[pl.ds(r2 * D + o, L)]
                                          + cr_v[pl.ds(q * D + o, L)])
            return 0

        lax.fori_loop(0, 120, ctab_row, 0)
        pltpu.sync_copy(ctab_v, ctab_sh)

    _build()
    plsc.subcore_barrier()

    lanes = lax.iota(jnp.int32, L)

    def do_chunk(cid):
        base = cid * C
        for c in range(4):
            pltpu.sync_copy(et_hbm.at[pl.ds(c * N_EDGES + base, C)],
                            idx_v.at[pl.ds(c * C, C)])

        for k in range(C // G):
            def group_t(g2, _, k=k):
                o = k * G + g2 * L
                i0 = idx_v[pl.ds(o, L)]
                i1 = idx_v[pl.ds(C + o, L)]
                i2 = idx_v[pl.ds(2 * C + o, L)]
                i3 = idx_v[pl.ds(3 * C + o, L)]
                comb = (i0 * 24 + i1 * 4 + i2 * 2 + i3) * 4
                comb_k[k][pl.ds(g2 * L, L)] = comb
                return 0

            lax.fori_loop(0, G // L, group_t, 0)

        for k in range(C // G):
            pltpu.async_copy(ctab_sh.at[comb_k[k]],
                             rows_v.at[pl.ds(k * G, G)], sem)
        for k in range(C // G):
            pltpu.make_async_copy(ctab_sh.at[comb_k[k]],
                                  rows_v.at[pl.ds(k * G, G)], sem).wait()

        pltpu.sync_copy(rows_v, out_hbm.at[pl.ds(base, C)])

    def chunk_loop(t, _):
        cid = wid + t * NW
        @pl.when(cid < NCHUNK)
        def _():
            do_chunk(cid)
        return 0

    lax.fori_loop(0, TPW, chunk_loop, 0)


@jax.jit
def _edge_encode(et_flat, tabs_flat):
    mesh = plsc.VectorSubcoreMesh(core_axis_name="c", subcore_axis_name="s")
    k = pl.kernel(
        _sc_body,
        out_type=jax.ShapeDtypeStruct((N_EDGES, D), jnp.float32),
        mesh=mesh,
        compiler_params=pltpu.CompilerParams(needs_layout_passes=False,
                                             disable_bounds_checks=True),
        scratch_types=[
            pltpu.VMEM((16 * D,), jnp.float32),
            pltpu.VMEM((30 * D,), jnp.float32),
            pltpu.VMEM((4 * D,), jnp.float32),
            pltpu.VMEM((120, D), jnp.float32),
            pltpu.VMEM_SHARED((120, D), jnp.float32),
            pltpu.VMEM((C * 4,), jnp.int32),
            pltpu.VMEM((G,), jnp.int32),
            pltpu.VMEM((G,), jnp.int32),
            pltpu.VMEM((G,), jnp.int32),
            pltpu.VMEM((G,), jnp.int32),
            pltpu.VMEM((G,), jnp.int32),
            pltpu.VMEM((C, D), jnp.float32),
            pltpu.SemaphoreType.DMA,
        ],
    )
    return k(et_flat, tabs_flat)


def kernel(edge_tensor, bond_W, stereo_W, conj_W, ring_W):
    et_flat = (edge_tensor.astype(jnp.int32)
               .reshape(N_EDGES // 128, 128, 4)
               .transpose(2, 0, 1)
               .reshape(-1))
    tabs_flat = jnp.concatenate(
        [t[i] for t, n in ((bond_W, 5), (stereo_W, 6), (conj_W, 2),
                           (ring_W, 2)) for i in range(n)], axis=0)
    return _edge_encode(et_flat, tabs_flat)

# --- scband reference (transcript-rebuilt; emitter-appended) ---
"""Pipeline reference for scband-edge-encoder-59803124630044 (READ-ONLY COPY).

The authoritative reference and input builder live on the scoring server;
editing this copy changes nothing except your own understanding.
"""

import jax, jax.numpy as jnp
import numpy as np

N_EDGES = 800000
EMBED_DIM = 64
N_BOND = 5
N_STEREO = 6
N_BOOL = 2

def setup_inputs(seed: int = 0) -> dict:
    key = jax.random.key(seed)
    k1, k2, k3, k4, k5 = jax.random.split(key, 5)
    # index tensor: all columns valid in [0, 2) which is in-range for every table
    edge_tensor = jax.random.randint(k1, (N_EDGES, 4), 0, 2, dtype=jnp.int64)
    bond_W = jax.random.normal(k2, (N_BOND, EMBED_DIM), dtype=jnp.float32)
    stereo_W = jax.random.normal(k3, (N_STEREO, EMBED_DIM), dtype=jnp.float32)
    conj_W = jax.random.normal(k4, (N_BOOL, EMBED_DIM), dtype=jnp.float32)
    ring_W = jax.random.normal(k5, (N_BOOL, EMBED_DIM), dtype=jnp.float32)
    return {"edge_tensor": edge_tensor, "bond_W": bond_W, "stereo_W": stereo_W, "conj_W": conj_W, "ring_W": ring_W}

def reference(edge_tensor, bond_W, stereo_W, conj_W, ring_W):
    # Faithful translation of EdgeEncoder.forward: four embedding gathers summed
    edge_vector = (jnp.take(bond_W, edge_tensor[:, 0], axis=0)
                   + jnp.take(stereo_W, edge_tensor[:, 1], axis=0)
                   + jnp.take(conj_W, edge_tensor[:, 2], axis=0)
                   + jnp.take(ring_W, edge_tensor[:, 3], axis=0))
    return edge_vector

if __name__ == "__main__":
    import jax
    _d = setup_inputs()
    print(jax.jit(kernel)(*tuple(_d.values())))

</pallas_src>

<mosaic_0001>
#map = affine_map<(d0, d1) -> (0)>
#map1 = affine_map<(d0, d1) -> (0, 0)>
module attributes {stable_mosaic.version = 14 : i64} {
  func.func @_sc_body(%arg0: i32, %arg1: i32, %arg2: memref<3200000xi32, #tpu.memory_space<hbm>>, %arg3: memref<960xf32, #tpu.memory_space<hbm>>, %arg4: memref<800000x64xf32, #tpu.memory_space<hbm>>, %arg5: memref<1024xf32, #tpu.memory_space<vmem>>, %arg6: memref<1920xf32, #tpu.memory_space<vmem>>, %arg7: memref<256xf32, #tpu.memory_space<vmem>>, %arg8: memref<120x64xf32, #tpu.memory_space<vmem>>, %arg9: memref<120x64xf32, #tpu.memory_space<vmem_shared>>, %arg10: memref<2560xi32, #tpu.memory_space<vmem>>, %arg11: memref<128xi32, #tpu.memory_space<vmem>>, %arg12: memref<128xi32, #tpu.memory_space<vmem>>, %arg13: memref<128xi32, #tpu.memory_space<vmem>>, %arg14: memref<128xi32, #tpu.memory_space<vmem>>, %arg15: memref<128xi32, #tpu.memory_space<vmem>>, %arg16: memref<640x64xf32, #tpu.memory_space<vmem>>, %arg17: memref<!tpu.dma_semaphore, #tpu.memory_space<semaphore_mem>>) attributes {dimension_semantics = [#tpu.dimension_semantics<core_parallel>, #tpu.dimension_semantics<subcore_parallel>], iteration_bounds = array<i64: 2, 16>, scalar_prefetch = 0 : i64, scratch_operands = 13 : i64, tpu.core_type = #tpu.core_type<sc_vector_subcore>, window_params = [{transform_indices = #map}, {transform_indices = #map}, {transform_indices = #map1}]} {
    %mul3A = arith.constant 2 : i32
    %mul3A_0 = arith.muli %arg1, %mul3A : i32
    %add3A = arith.addi %mul3A_0, %arg0 : i32
    "tpu.region"() ({
      %run_scoped3A = tpu.sem_alloc : memref<!tpu.dma_semaphore, #tpu.memory_space<semaphore_mem>>
      %dma_start3A = arith.constant 0 : i32
      %dma_start3A_131 = tpu.memref_slice %arg5[%dma_start3A] : memref<1024xf32, #tpu.memory_space<vmem>> -> memref<960xf32, #tpu.memory_space<vmem>>
      %dma_start3A_132 = arith.constant 0 : i32
      %dma_start3A_133 = tpu.memref_slice %arg5[%dma_start3A_132] : memref<1024xf32, #tpu.memory_space<vmem>> -> memref<960xf32, #tpu.memory_space<vmem>>
      tpu.enqueue_dma source(%arg3 : memref<960xf32, #tpu.memory_space<hbm>>) target(%dma_start3A_133 : memref<960xf32, #tpu.memory_space<vmem>>) target_semaphore(%run_scoped3A : memref<!tpu.dma_semaphore, #tpu.memory_space<semaphore_mem>>)
      %dma_wait3A = arith.constant 0 : i32
      %dma_wait3A_134 = tpu.memref_slice %arg5[%dma_wait3A] : memref<1024xf32, #tpu.memory_space<vmem>> -> memref<960xf32, #tpu.memory_space<vmem>>
      %dma_wait3A_135 = arith.constant 0 : i32
      %dma_wait3A_136 = tpu.memref_slice %arg5[%dma_wait3A_135] : memref<1024xf32, #tpu.memory_space<vmem>> -> memref<960xf32, #tpu.memory_space<vmem>>
      tpu.wait_dma2 semaphore(%run_scoped3A : memref<!tpu.dma_semaphore, #tpu.memory_space<semaphore_mem>>) src(%arg3 : memref<960xf32, #tpu.memory_space<hbm>>) dst(%dma_wait3A_136 : memref<960xf32, #tpu.memory_space<vmem>>)
      tpu.yield
    }) : () -> ()
    %scan3A = arith.constant 0 : i32
    %scan3A_1 = arith.constant 0 : i32
    %scan3A_2 = arith.constant 30 : i32
    %scan3A_3 = arith.addi %scan3A_1, %scan3A_2 : i32
    %scan3A_4 = arith.constant 1 : i32
    %scan3A_5 = scf.for %scan3A_131 = %scan3A_1 to %scan3A_3 step %scan3A_4 iter_args(%scan3A_132 = %scan3A) -> (i32)  : i32 {
      %jit3A = arith.constant 6 : i32
      %div3A = arith.divsi %scan3A_131, %jit3A : i32
      %sign3A = arith.constant 0 : i32
      %sign3A_133 = arith.cmpi sgt, %scan3A_131, %sign3A : i32
      %sign3A_134 = arith.extui %sign3A_133 : i1 to i32
      %sign3A_135 = arith.constant 0 : i32
      %sign3A_136 = arith.cmpi slt, %scan3A_131, %sign3A_135 : i32
      %sign3A_137 = arith.extui %sign3A_136 : i1 to i32
      %sign3A_138 = arith.subi %sign3A_134, %sign3A_137 : i32
      %sign3A_139 = arith.constant 0 : i32
      %sign3A_140 = arith.cmpi sgt, %jit3A, %sign3A_139 : i32
      %sign3A_141 = arith.extui %sign3A_140 : i1 to i32
      %sign3A_142 = arith.constant 0 : i32
      %sign3A_143 = arith.cmpi slt, %jit3A, %sign3A_142 : i32
      %sign3A_144 = arith.extui %sign3A_143 : i1 to i32
      %sign3A_145 = arith.subi %sign3A_141, %sign3A_144 : i32
      %ne3A = arith.cmpi ne, %sign3A_138, %sign3A_145 : i32
      %rem3A = arith.remsi %scan3A_131, %jit3A : i32
      %ne3A_146 = arith.constant 0 : i32
      %ne3A_147 = arith.cmpi ne, %rem3A, %ne3A_146 : i32
      %and3A = arith.andi %ne3A, %ne3A_147 : i1
      %sub3A = arith.constant 1 : i32
      %sub3A_148 = arith.subi %div3A, %sub3A : i32
      %select_n3A = arith.select %and3A, %sub3A_148, %div3A : i32
      %jit3A_149 = arith.constant 6 : i32
      %eq3A = arith.constant 0 : i32
      %eq3A_150 = arith.cmpi eq, %jit3A_149, %eq3A : i32
      %jit3A_151 = arith.constant 1 : i32
      %select_n3A_152 = arith.select %eq3A_150, %jit3A_151, %jit3A_149 : i32
      %rem3A_153 = arith.remsi %scan3A_131, %select_n3A_152 : i32
      %ne3A_154 = arith.constant 0 : i32
      %ne3A_155 = arith.cmpi ne, %rem3A_153, %ne3A_154 : i32
      %lt3A = arith.constant 0 : i32
      %lt3A_156 = arith.cmpi slt, %rem3A_153, %lt3A : i32
      %lt3A_157 = arith.constant 0 : i32
      %lt3A_158 = arith.cmpi slt, %select_n3A_152, %lt3A_157 : i32
      %ne3A_159 = arith.xori %lt3A_156, %lt3A_158 : i1
      %and3A_160 = arith.andi %ne3A_159, %ne3A_155 : i1
      %add3A_161 = arith.addi %rem3A_153, %select_n3A_152 : i32
      %select_n3A_162 = arith.select %and3A_160, %add3A_161, %rem3A_153 : i32
      %mul3A_163 = arith.constant 64 : i32
      %mul3A_164 = arith.muli %select_n3A, %mul3A_163 : i32
      %add3A_165 = arith.constant 0 : i32
      %add3A_166 = arith.addi %mul3A_164, %add3A_165 : i32
      %get3A_167 = arith.index_cast %add3A_166 : i32 to index
      %get3A_168 = tpu.vector_load %arg5[%get3A_167] {strides = array<i32>} : memref<1024xf32, #tpu.memory_space<vmem>>, vector<16xf32>,
      %add3A_169 = arith.constant 5 : i32
      %add3A_170 = arith.addi %add3A_169, %select_n3A_162 : i32
      %mul3A_171 = arith.constant 64 : i32
      %mul3A_172 = arith.muli %add3A_170, %mul3A_171 : i32
      %add3A_173 = arith.constant 0 : i32
      %add3A_174 = arith.addi %mul3A_172, %add3A_173 : i32
      %get3A_175 = arith.index_cast %add3A_174 : i32 to index
      %get3A_176 = tpu.vector_load %arg5[%get3A_175] {strides = array<i32>} : memref<1024xf32, #tpu.memory_space<vmem>>, vector<16xf32>,
      %add3A_177 = arith.addf %get3A_168, %get3A_176 : vector<16xf32>
      %mul3A_178 = arith.constant 64 : i32
      %mul3A_179 = arith.muli %scan3A_131, %mul3A_178 : i32
      %add3A_180 = arith.constant 0 : i32
      %add3A_181 = arith.addi %mul3A_179, %add3A_180 : i32
      %swap3A_182 = arith.index_cast %add3A_181 : i32 to index
      %swap3A_183 = tpu.vector_load %arg6[%swap3A_182] {strides = array<i32>} : memref<1920xf32, #tpu.memory_space<vmem>>, vector<16xf32>,
      tpu.vector_store %arg6[%swap3A_182], %add3A_177 {strides = array<i32>} : memref<1920xf32, #tpu.memory_space<vmem>>, vector<16xf32>,
      %mul3A_184 = arith.constant 64 : i32
      %mul3A_185 = arith.muli %select_n3A, %mul3A_184 : i32
      %add3A_186 = arith.constant 16 : i32
      %add3A_187 = arith.addi %mul3A_185, %add3A_186 : i32
      %get3A_188 = arith.index_cast %add3A_187 : i32 to index
      %get3A_189 = tpu.vector_load %arg5[%get3A_188] {strides = array<i32>} : memref<1024xf32, #tpu.memory_space<vmem>>, vector<16xf32>,
      %add3A_190 = arith.constant 5 : i32
      %add3A_191 = arith.addi %add3A_190, %select_n3A_162 : i32
      %mul3A_192 = arith.constant 64 : i32
      %mul3A_193 = arith.muli %add3A_191, %mul3A_192 : i32
      %add3A_194 = arith.constant 16 : i32
      %add3A_195 = arith.addi %mul3A_193, %add3A_194 : i32
      %get3A_196 = arith.index_cast %add3A_195 : i32 to index
      %get3A_197 = tpu.vector_load %arg5[%get3A_196] {strides = array<i32>} : memref<1024xf32, #tpu.memory_space<vmem>>, vector<16xf32>,
      %add3A_198 = arith.addf %get3A_189, %get3A_197 : vector<16xf32>
      %mul3A_199 = arith.constant 64 : i32
      %mul3A_200 = arith.muli %scan3A_131, %mul3A_199 : i32
      %add3A_201 = arith.constant 16 : i32
      %add3A_202 = arith.addi %mul3A_200, %add3A_201 : i32
      %swap3A_203 = arith.index_cast %add3A_202 : i32 to index
      %swap3A_204 = tpu.vector_load %arg6[%swap3A_203] {strides = array<i32>} : memref<1920xf32, #tpu.memory_space<vmem>>, vector<16xf32>,
      tpu.vector_store %arg6[%swap3A_203], %add3A_198 {strides = array<i32>} : memref<1920xf32, #tpu.memory_space<vmem>>, vector<16xf32>,
      %mul3A_205 = arith.constant 64 : i32
      %mul3A_206 = arith.muli %select_n3A, %mul3A_205 : i32
      %add3A_207 = arith.constant 32 : i32
      %add3A_208 = arith.addi %mul3A_206, %add3A_207 : i32
      %get3A_209 = arith.index_cast %add3A_208 : i32 to index
      %get3A_210 = tpu.vector_load %arg5[%get3A_209] {strides = array<i32>} : memref<1024xf32, #tpu.memory_space<vmem>>, vector<16xf32>,
      %add3A_211 = arith.constant 5 : i32
      %add3A_212 = arith.addi %add3A_211, %select_n3A_162 : i32
      %mul3A_213 = arith.constant 64 : i32
      %mul3A_214 = arith.muli %add3A_212, %mul3A_213 : i32
      %add3A_215 = arith.constant 32 : i32
      %add3A_216 = arith.addi %mul3A_214, %add3A_215 : i32
      %get3A_217 = arith.index_cast %add3A_216 : i32 to index
      %get3A_218 = tpu.vector_load %arg5[%get3A_217] {strides = array<i32>} : memref<1024xf32, #tpu.memory_space<vmem>>, vector<16xf32>,
      %add3A_219 = arith.addf %get3A_210, %get3A_218 : vector<16xf32>
      %mul3A_220 = arith.constant 64 : i32
      %mul3A_221 = arith.muli %scan3A_131, %mul3A_220 : i32
      %add3A_222 = arith.constant 32 : i32
      %add3A_223 = arith.addi %mul3A_221, %add3A_222 : i32
      %swap3A_224 = arith.index_cast %add3A_223 : i32 to index
      %swap3A_225 = tpu.vector_load %arg6[%swap3A_224] {strides = array<i32>} : memref<1920xf32, #tpu.memory_space<vmem>>, vector<16xf32>,
      tpu.vector_store %arg6[%swap3A_224], %add3A_219 {strides = array<i32>} : memref<1920xf32, #tpu.memory_space<vmem>>, vector<16xf32>,
      %mul3A_226 = arith.constant 64 : i32
      %mul3A_227 = arith.muli %select_n3A, %mul3A_226 : i32
      %add3A_228 = arith.constant 48 : i32
      %add3A_229 = arith.addi %mul3A_227, %add3A_228 : i32
      %get3A_230 = arith.index_cast %add3A_229 : i32 to index
      %get3A_231 = tpu.vector_load %arg5[%get3A_230] {strides = array<i32>} : memref<1024xf32, #tpu.memory_space<vmem>>, vector<16xf32>,
      %add3A_232 = arith.constant 5 : i32
      %add3A_233 = arith.addi %add3A_232, %select_n3A_162 : i32
      %mul3A_234 = arith.constant 64 : i32
      %mul3A_235 = arith.muli %add3A_233, %mul3A_234 : i32
      %add3A_236 = arith.constant 48 : i32
      %add3A_237 = arith.addi %mul3A_235, %add3A_236 : i32
      %get3A_238 = arith.index_cast %add3A_237 : i32 to index
      %get3A_239 = tpu.vector_load %arg5[%get3A_238] {strides = array<i32>} : memref<1024xf32, #tpu.memory_space<vmem>>, vector<16xf32>,
      %add3A_240 = arith.addf %get3A_231, %get3A_239 : vector<16xf32>
      %mul3A_241 = arith.constant 64 : i32
      %mul3A_242 = arith.muli %scan3A_131, %mul3A_241 : i32
      %add3A_243 = arith.constant 48 : i32
      %add3A_244 = arith.addi %mul3A_242, %add3A_243 : i32
      %swap3A_245 = arith.index_cast %add3A_244 : i32 to index
      %swap3A_246 = tpu.vector_load %arg6[%swap3A_245] {strides = array<i32>} : memref<1920xf32, #tpu.memory_space<vmem>>, vector<16xf32>,
      tpu.vector_store %arg6[%swap3A_245], %add3A_240 {strides = array<i32>} : memref<1920xf32, #tpu.memory_space<vmem>>, vector<16xf32>,
      %scan3A_247 = arith.constant 0 : i32
      scf.yield %scan3A_247 : i32
    }
    %scan3A_6 = arith.constant 30 : i32
    %get3A = arith.constant 704 : index
    %get3A_7 = tpu.vector_load %arg5[%get3A] {strides = array<i32>} : memref<1024xf32, #tpu.memory_space<vmem>>, vector<16xf32>,
    %get3A_8 = arith.constant 832 : index
    %get3A_9 = tpu.vector_load %arg5[%get3A_8] {strides = array<i32>} : memref<1024xf32, #tpu.memory_space<vmem>>, vector<16xf32>,
    %add3A_10 = arith.addf %get3A_7, %get3A_9 : vector<16xf32>
    %swap3A = arith.constant 0 : index
    %swap3A_11 = tpu.vector_load %arg7[%swap3A] {strides = array<i32>} : memref<256xf32, #tpu.memory_space<vmem>>, vector<16xf32>,
    tpu.vector_store %arg7[%swap3A], %add3A_10 {strides = array<i32>} : memref<256xf32, #tpu.memory_space<vmem>>, vector<16xf32>,
    %get3A_12 = arith.constant 720 : index
    %get3A_13 = tpu.vector_load %arg5[%get3A_12] {strides = array<i32>} : memref<1024xf32, #tpu.memory_space<vmem>>, vector<16xf32>,
    %get3A_14 = arith.constant 848 : index
    %get3A_15 = tpu.vector_load %arg5[%get3A_14] {strides = array<i32>} : memref<1024xf32, #tpu.memory_space<vmem>>, vector<16xf32>,
    %add3A_16 = arith.addf %get3A_13, %get3A_15 : vector<16xf32>
    %swap3A_17 = arith.constant 16 : index
    %swap3A_18 = tpu.vector_load %arg7[%swap3A_17] {strides = array<i32>} : memref<256xf32, #tpu.memory_space<vmem>>, vector<16xf32>,
    tpu.vector_store %arg7[%swap3A_17], %add3A_16 {strides = array<i32>} : memref<256xf32, #tpu.memory_space<vmem>>, vector<16xf32>,
    %get3A_19 = arith.constant 736 : index
    %get3A_20 = tpu.vector_load %arg5[%get3A_19] {strides = array<i32>} : memref<1024xf32, #tpu.memory_space<vmem>>, vector<16xf32>,
    %get3A_21 = arith.constant 864 : index
    %get3A_22 = tpu.vector_load %arg5[%get3A_21] {strides = array<i32>} : memref<1024xf32, #tpu.memory_space<vmem>>, vector<16xf32>,
    %add3A_23 = arith.addf %get3A_20, %get3A_22 : vector<16xf32>
    %swap3A_24 = arith.constant 32 : index
    %swap3A_25 = tpu.vector_load %arg7[%swap3A_24] {strides = array<i32>} : memref<256xf32, #tpu.memory_space<vmem>>, vector<16xf32>,
    tpu.vector_store %arg7[%swap3A_24], %add3A_23 {strides = array<i32>} : memref<256xf32, #tpu.memory_space<vmem>>, vector<16xf32>,
    %get3A_26 = arith.constant 752 : index
    %get3A_27 = tpu.vector_load %arg5[%get3A_26] {strides = array<i32>} : memref<1024xf32, #tpu.memory_space<vmem>>, vector<16xf32>,
    %get3A_28 = arith.constant 880 : index
    %get3A_29 = tpu.vector_load %arg5[%get3A_28] {strides = array<i32>} : memref<1024xf32, #tpu.memory_space<vmem>>, vector<16xf32>,
    %add3A_30 = arith.addf %get3A_27, %get3A_29 : vector<16xf32>
    %swap3A_31 = arith.constant 48 : index
    %swap3A_32 = tpu.vector_load %arg7[%swap3A_31] {strides = array<i32>} : memref<256xf32, #tpu.memory_space<vmem>>, vector<16xf32>,
    tpu.vector_store %arg7[%swap3A_31], %add3A_30 {strides = array<i32>} : memref<256xf32, #tpu.memory_space<vmem>>, vector<16xf32>,
    %get3A_33 = arith.constant 704 : index
    %get3A_34 = tpu.vector_load %arg5[%get3A_33] {strides = array<i32>} : memref<1024xf32, #tpu.memory_space<vmem>>, vector<16xf32>,
    %get3A_35 = arith.constant 896 : index
    %get3A_36 = tpu.vector_load %arg5[%get3A_35] {strides = array<i32>} : memref<1024xf32, #tpu.memory_space<vmem>>, vector<16xf32>,
    %add3A_37 = arith.addf %get3A_34, %get3A_36 : vector<16xf32>
    %swap3A_38 = arith.constant 64 : index
    %swap3A_39 = tpu.vector_load %arg7[%swap3A_38] {strides = array<i32>} : memref<256xf32, #tpu.memory_space<vmem>>, vector<16xf32>,
    tpu.vector_store %arg7[%swap3A_38], %add3A_37 {strides = array<i32>} : memref<256xf32, #tpu.memory_space<vmem>>, vector<16xf32>,
    %get3A_40 = arith.constant 720 : index
    %get3A_41 = tpu.vector_load %arg5[%get3A_40] {strides = array<i32>} : memref<1024xf32, #tpu.memory_space<vmem>>, vector<16xf32>,
    %get3A_42 = arith.constant 912 : index
    %get3A_43 = tpu.vector_load %arg5[%get3A_42] {strides = array<i32>} : memref<1024xf32, #tpu.memory_space<vmem>>, vector<16xf32>,
    %add3A_44 = arith.addf %get3A_41, %get3A_43 : vector<16xf32>
    %swap3A_45 = arith.constant 80 : index
    %swap3A_46 = tpu.vector_load %arg7[%swap3A_45] {strides = array<i32>} : memref<256xf32, #tpu.memory_space<vmem>>, vector<16xf32>,
    tpu.vector_store %arg7[%swap3A_45], %add3A_44 {strides = array<i32>} : memref<256xf32, #tpu.memory_space<vmem>>, vector<16xf32>,
    %get3A_47 = arith.constant 736 : index
    %get3A_48 = tpu.vector_load %arg5[%get3A_47] {strides = array<i32>} : memref<1024xf32, #tpu.memory_space<vmem>>, vector<16xf32>,
    %get3A_49 = arith.constant 928 : index
    %get3A_50 = tpu.vector_load %arg5[%get3A_49] {strides = array<i32>} : memref<1024xf32, #tpu.memory_space<vmem>>, vector<16xf32>,
    %add3A_51 = arith.addf %get3A_48, %get3A_50 : vector<16xf32>
    %swap3A_52 = arith.constant 96 : index
    %swap3A_53 = tpu.vector_load %arg7[%swap3A_52] {strides = array<i32>} : memref<256xf32, #tpu.memory_space<vmem>>, vector<16xf32>,
    tpu.vector_store %arg7[%swap3A_52], %add3A_51 {strides = array<i32>} : memref<256xf32, #tpu.memory_space<vmem>>, vector<16xf32>,
    %get3A_54 = arith.constant 752 : index
    %get3A_55 = tpu.vector_load %arg5[%get3A_54] {strides = array<i32>} : memref<1024xf32, #tpu.memory_space<vmem>>, vector<16xf32>,
    %get3A_56 = arith.constant 944 : index
    %get3A_57 = tpu.vector_load %arg5[%get3A_56] {strides = array<i32>} : memref<1024xf32, #tpu.memory_space<vmem>>, vector<16xf32>,
    %add3A_58 = arith.addf %get3A_55, %get3A_57 : vector<16xf32>
    %swap3A_59 = arith.constant 112 : index
    %swap3A_60 = tpu.vector_load %arg7[%swap3A_59] {strides = array<i32>} : memref<256xf32, #tpu.memory_space<vmem>>, vector<16xf32>,
    tpu.vector_store %arg7[%swap3A_59], %add3A_58 {strides = array<i32>} : memref<256xf32, #tpu.memory_space<vmem>>, vector<16xf32>,
    %get3A_61 = arith.constant 768 : index
    %get3A_62 = tpu.vector_load %arg5[%get3A_61] {strides = array<i32>} : memref<1024xf32, #tpu.memory_space<vmem>>, vector<16xf32>,
    %get3A_63 = arith.constant 832 : index
    %get3A_64 = tpu.vector_load %arg5[%get3A_63] {strides = array<i32>} : memref<1024xf32, #tpu.memory_space<vmem>>, vector<16xf32>,
    %add3A_65 = arith.addf %get3A_62, %get3A_64 : vector<16xf32>
    %swap3A_66 = arith.constant 128 : index
    %swap3A_67 = tpu.vector_load %arg7[%swap3A_66] {strides = array<i32>} : memref<256xf32, #tpu.memory_space<vmem>>, vector<16xf32>,
    tpu.vector_store %arg7[%swap3A_66], %add3A_65 {strides = array<i32>} : memref<256xf32, #tpu.memory_space<vmem>>, vector<16xf32>,
    %get3A_68 = arith.constant 784 : index
    %get3A_69 = tpu.vector_load %arg5[%get3A_68] {strides = array<i32>} : memref<1024xf32, #tpu.memory_space<vmem>>, vector<16xf32>,
    %get3A_70 = arith.constant 848 : index
    %get3A_71 = tpu.vector_load %arg5[%get3A_70] {strides = array<i32>} : memref<1024xf32, #tpu.memory_space<vmem>>, vector<16xf32>,
    %add3A_72 = arith.addf %get3A_69, %get3A_71 : vector<16xf32>
    %swap3A_73 = arith.constant 144 : index
    %swap3A_74 = tpu.vector_load %arg7[%swap3A_73] {strides = array<i32>} : memref<256xf32, #tpu.memory_space<vmem>>, vector<16xf32>,
    tpu.vector_store %arg7[%swap3A_73], %add3A_72 {strides = array<i32>} : memref<256xf32, #tpu.memory_space<vmem>>, vector<16xf32>,
    %get3A_75 = arith.constant 800 : index
    %get3A_76 = tpu.vector_load %arg5[%get3A_75] {strides = array<i32>} : memref<1024xf32, #tpu.memory_space<vmem>>, vector<16xf32>,
    %get3A_77 = arith.constant 864 : index
    %get3A_78 = tpu.vector_load %arg5[%get3A_77] {strides = array<i32>} : memref<1024xf32, #tpu.memory_space<vmem>>, vector<16xf32>,
    %add3A_79 = arith.addf %get3A_76, %get3A_78 : vector<16xf32>
    %swap3A_80 = arith.constant 160 : index
    %swap3A_81 = tpu.vector_load %arg7[%swap3A_80] {strides = array<i32>} : memref<256xf32, #tpu.memory_space<vmem>>, vector<16xf32>,
    tpu.vector_store %arg7[%swap3A_80], %add3A_79 {strides = array<i32>} : memref<256xf32, #tpu.memory_space<vmem>>, vector<16xf32>,
    %get3A_82 = arith.constant 816 : index
    %get3A_83 = tpu.vector_load %arg5[%get3A_82] {strides = array<i32>} : memref<1024xf32, #tpu.memory_space<vmem>>, vector<16xf32>,
    %get3A_84 = arith.constant 880 : index
    %get3A_85 = tpu.vector_load %arg5[%get3A_84] {strides = array<i32>} : memref<1024xf32, #tpu.memory_space<vmem>>, vector<16xf32>,
    %add3A_86 = arith.addf %get3A_83, %get3A_85 : vector<16xf32>
    %swap3A_87 = arith.constant 176 : index
    %swap3A_88 = tpu.vector_load %arg7[%swap3A_87] {strides = array<i32>} : memref<256xf32, #tpu.memory_space<vmem>>, vector<16xf32>,
    tpu.vector_store %arg7[%swap3A_87], %add3A_86 {strides = array<i32>} : memref<256xf32, #tpu.memory_space<vmem>>, vector<16xf32>,
    %get3A_89 = arith.constant 768 : index
    %get3A_90 = tpu.vector_load %arg5[%get3A_89] {strides = array<i32>} : memref<1024xf32, #tpu.memory_space<vmem>>, vector<16xf32>,
    %get3A_91 = arith.constant 896 : index
    %get3A_92 = tpu.vector_load %arg5[%get3A_91] {strides = array<i32>} : memref<1024xf32, #tpu.memory_space<vmem>>, vector<16xf32>,
    %add3A_93 = arith.addf %get3A_90, %get3A_92 : vector<16xf32>
    %swap3A_94 = arith.constant 192 : index
    %swap3A_95 = tpu.vector_load %arg7[%swap3A_94] {strides = array<i32>} : memref<256xf32, #tpu.memory_space<vmem>>, vector<16xf32>,
    tpu.vector_store %arg7[%swap3A_94], %add3A_93 {strides = array<i32>} : memref<256xf32, #tpu.memory_space<vmem>>, vector<16xf32>,
    %get3A_96 = arith.constant 784 : index
    %get3A_97 = tpu.vector_load %arg5[%get3A_96] {strides = array<i32>} : memref<1024xf32, #tpu.memory_space<vmem>>, vector<16xf32>,
    %get3A_98 = arith.constant 912 : index
    %get3A_99 = tpu.vector_load %arg5[%get3A_98] {strides = array<i32>} : memref<1024xf32, #tpu.memory_space<vmem>>, vector<16xf32>,
    %add3A_100 = arith.addf %get3A_97, %get3A_99 : vector<16xf32>
    %swap3A_101 = arith.constant 208 : index
    %swap3A_102 = tpu.vector_load %arg7[%swap3A_101] {strides = array<i32>} : memref<256xf32, #tpu.memory_space<vmem>>, vector<16xf32>,
    tpu.vector_store %arg7[%swap3A_101], %add3A_100 {strides = array<i32>} : memref<256xf32, #tpu.memory_space<vmem>>, vector<16xf32>,
    %get3A_103 = arith.constant 800 : index
    %get3A_104 = tpu.vector_load %arg5[%get3A_103] {strides = array<i32>} : memref<1024xf32, #tpu.memory_space<vmem>>, vector<16xf32>,
    %get3A_105 = arith.constant 928 : index
    %get3A_106 = tpu.vector_load %arg5[%get3A_105] {strides = array<i32>} : memref<1024xf32, #tpu.memory_space<vmem>>, vector<16xf32>,
    %add3A_107 = arith.addf %get3A_104, %get3A_106 : vector<16xf32>
    %swap3A_108 = arith.constant 224 : index
    %swap3A_109 = tpu.vector_load %arg7[%swap3A_108] {strides = array<i32>} : memref<256xf32, #tpu.memory_space<vmem>>, vector<16xf32>,
    tpu.vector_store %arg7[%swap3A_108], %add3A_107 {strides = array<i32>} : memref<256xf32, #tpu.memory_space<vmem>>, vector<16xf32>,
    %get3A_110 = arith.constant 816 : index
    %get3A_111 = tpu.vector_load %arg5[%get3A_110] {strides = array<i32>} : memref<1024xf32, #tpu.memory_space<vmem>>, vector<16xf32>,
    %get3A_112 = arith.constant 944 : index
    %get3A_113 = tpu.vector_load %arg5[%get3A_112] {strides = array<i32>} : memref<1024xf32, #tpu.memory_space<vmem>>, vector<16xf32>,
    %add3A_114 = arith.addf %get3A_111, %get3A_113 : vector<16xf32>
    %swap3A_115 = arith.constant 240 : index
    %swap3A_116 = tpu.vector_load %arg7[%swap3A_115] {strides = array<i32>} : memref<256xf32, #tpu.memory_space<vmem>>, vector<16xf32>,
    tpu.vector_store %arg7[%swap3A_115], %add3A_114 {strides = array<i32>} : memref<256xf32, #tpu.memory_space<vmem>>, vector<16xf32>,
    %scan3A_117 = arith.constant 0 : i32
    %scan3A_118 = arith.constant 0 : i32
    %scan3A_119 = arith.constant 120 : i32
    %scan3A_120 = arith.addi %scan3A_118, %scan3A_119 : i32
    %scan3A_121 = arith.constant 1 : i32
    %scan3A_122 = scf.for %scan3A_131 = %scan3A_118 to %scan3A_120 step %scan3A_121 iter_args(%scan3A_132 = %scan3A_117) -> (i32)  : i32 {
      %jit3A = arith.constant 4 : i32
      %div3A = arith.divsi %scan3A_131, %jit3A : i32
      %sign3A = arith.constant 0 : i32
      %sign3A_133 = arith.cmpi sgt, %scan3A_131, %sign3A : i32
      %sign3A_134 = arith.extui %sign3A_133 : i1 to i32
      %sign3A_135 = arith.constant 0 : i32
      %sign3A_136 = arith.cmpi slt, %scan3A_131, %sign3A_135 : i32
      %sign3A_137 = arith.extui %sign3A_136 : i1 to i32
      %sign3A_138 = arith.subi %sign3A_134, %sign3A_137 : i32
      %sign3A_139 = arith.constant 0 : i32
      %sign3A_140 = arith.cmpi sgt, %jit3A, %sign3A_139 : i32
      %sign3A_141 = arith.extui %sign3A_140 : i1 to i32
      %sign3A_142 = arith.constant 0 : i32
      %sign3A_143 = arith.cmpi slt, %jit3A, %sign3A_142 : i32
      %sign3A_144 = arith.extui %sign3A_143 : i1 to i32
      %sign3A_145 = arith.subi %sign3A_141, %sign3A_144 : i32
      %ne3A = arith.cmpi ne, %sign3A_138, %sign3A_145 : i32
      %rem3A = arith.remsi %scan3A_131, %jit3A : i32
      %ne3A_146 = arith.constant 0 : i32
      %ne3A_147 = arith.cmpi ne, %rem3A, %ne3A_146 : i32
      %and3A = arith.andi %ne3A, %ne3A_147 : i1
      %sub3A = arith.constant 1 : i32
      %sub3A_148 = arith.subi %div3A, %sub3A : i32
      %select_n3A = arith.select %and3A, %sub3A_148, %div3A : i32
      %jit3A_149 = arith.constant 4 : i32
      %eq3A = arith.constant 0 : i32
      %eq3A_150 = arith.cmpi eq, %jit3A_149, %eq3A : i32
      %jit3A_151 = arith.constant 1 : i32
      %select_n3A_152 = arith.select %eq3A_150, %jit3A_151, %jit3A_149 : i32
      %rem3A_153 = arith.remsi %scan3A_131, %select_n3A_152 : i32
      %ne3A_154 = arith.constant 0 : i32
      %ne3A_155 = arith.cmpi ne, %rem3A_153, %ne3A_154 : i32
      %lt3A = arith.constant 0 : i32
      %lt3A_156 = arith.cmpi slt, %rem3A_153, %lt3A : i32
      %lt3A_157 = arith.constant 0 : i32
      %lt3A_158 = arith.cmpi slt, %select_n3A_152, %lt3A_157 : i32
      %ne3A_159 = arith.xori %lt3A_156, %lt3A_158 : i1
      %and3A_160 = arith.andi %ne3A_159, %ne3A_155 : i1
      %add3A_161 = arith.addi %rem3A_153, %select_n3A_152 : i32
      %select_n3A_162 = arith.select %and3A_160, %add3A_161, %rem3A_153 : i32
      %mul3A_163 = arith.constant 64 : i32
      %mul3A_164 = arith.muli %select_n3A, %mul3A_163 : i32
      %add3A_165 = arith.constant 0 : i32
      %add3A_166 = arith.addi %mul3A_164, %add3A_165 : i32
      %get3A_167 = arith.index_cast %add3A_166 : i32 to index
      %get3A_168 = tpu.vector_load %arg6[%get3A_167] {strides = array<i32>} : memref<1920xf32, #tpu.memory_space<vmem>>, vector<16xf32>,
      %mul3A_169 = arith.constant 64 : i32
      %mul3A_170 = arith.muli %select_n3A_162, %mul3A_169 : i32
      %add3A_171 = arith.constant 0 : i32
      %add3A_172 = arith.addi %mul3A_170, %add3A_171 : i32
      %get3A_173 = arith.index_cast %add3A_172 : i32 to index
      %get3A_174 = tpu.vector_load %arg7[%get3A_173] {strides = array<i32>} : memref<256xf32, #tpu.memory_space<vmem>>, vector<16xf32>,
      %add3A_175 = arith.addf %get3A_168, %get3A_174 : vector<16xf32>
      %swap3A_176 = arith.index_cast %scan3A_131 : i32 to index
      %swap3A_177 = arith.constant 0 : index
      %swap3A_178 = tpu.vector_load %arg8[%swap3A_176, %swap3A_177] {strides = array<i32>} : memref<120x64xf32, #tpu.memory_space<vmem>>, vector<16xf32>,
      tpu.vector_store %arg8[%swap3A_176, %swap3A_177], %add3A_175 {strides = array<i32>} : memref<120x64xf32, #tpu.memory_space<vmem>>, vector<16xf32>,
      %mul3A_179 = arith.constant 64 : i32
      %mul3A_180 = arith.muli %select_n3A, %mul3A_179 : i32
      %add3A_181 = arith.constant 16 : i32
      %add3A_182 = arith.addi %mul3A_180, %add3A_181 : i32
      %get3A_183 = arith.index_cast %add3A_182 : i32 to index
      %get3A_184 = tpu.vector_load %arg6[%get3A_183] {strides = array<i32>} : memref<1920xf32, #tpu.memory_space<vmem>>, vector<16xf32>,
      %mul3A_185 = arith.constant 64 : i32
      %mul3A_186 = arith.muli %select_n3A_162, %mul3A_185 : i32
      %add3A_187 = arith.constant 16 : i32
      %add3A_188 = arith.addi %mul3A_186, %add3A_187 : i32
      %get3A_189 = arith.index_cast %add3A_188 : i32 to index
      %get3A_190 = tpu.vector_load %arg7[%get3A_189] {strides = array<i32>} : memref<256xf32, #tpu.memory_space<vmem>>, vector<16xf32>,
      %add3A_191 = arith.addf %get3A_184, %get3A_190 : vector<16xf32>
      %swap3A_192 = arith.index_cast %scan3A_131 : i32 to index
      %swap3A_193 = arith.constant 16 : index
      %swap3A_194 = tpu.vector_load %arg8[%swap3A_192, %swap3A_193] {strides = array<i32>} : memref<120x64xf32, #tpu.memory_space<vmem>>, vector<16xf32>,
      tpu.vector_store %arg8[%swap3A_192, %swap3A_193], %add3A_191 {strides = array<i32>} : memref<120x64xf32, #tpu.memory_space<vmem>>, vector<16xf32>,
      %mul3A_195 = arith.constant 64 : i32
      %mul3A_196 = arith.muli %select_n3A, %mul3A_195 : i32
      %add3A_197 = arith.constant 32 : i32
      %add3A_198 = arith.addi %mul3A_196, %add3A_197 : i32
      %get3A_199 = arith.index_cast %add3A_198 : i32 to index
      %get3A_200 = tpu.vector_load %arg6[%get3A_199] {strides = array<i32>} : memref<1920xf32, #tpu.memory_space<vmem>>, vector<16xf32>,
      %mul3A_201 = arith.constant 64 : i32
      %mul3A_202 = arith.muli %select_n3A_162, %mul3A_201 : i32
      %add3A_203 = arith.constant 32 : i32
      %add3A_204 = arith.addi %mul3A_202, %add3A_203 : i32
      %get3A_205 = arith.index_cast %add3A_204 : i32 to index
      %get3A_206 = tpu.vector_load %arg7[%get3A_205] {strides = array<i32>} : memref<256xf32, #tpu.memory_space<vmem>>, vector<16xf32>,
      %add3A_207 = arith.addf %get3A_200, %get3A_206 : vector<16xf32>
      %swap3A_208 = arith.index_cast %scan3A_131 : i32 to index
      %swap3A_209 = arith.constant 32 : index
      %swap3A_210 = tpu.vector_load %arg8[%swap3A_208, %swap3A_209] {strides = array<i32>} : memref<120x64xf32, #tpu.memory_space<vmem>>, vector<16xf32>,
      tpu.vector_store %arg8[%swap3A_208, %swap3A_209], %add3A_207 {strides = array<i32>} : memref<120x64xf32, #tpu.memory_space<vmem>>, vector<16xf32>,
      %mul3A_211 = arith.constant 64 : i32
      %mul3A_212 = arith.muli %select_n3A, %mul3A_211 : i32
      %add3A_213 = arith.constant 48 : i32
      %add3A_214 = arith.addi %mul3A_212, %add3A_213 : i32
      %get3A_215 = arith.index_cast %add3A_214 : i32 to index
      %get3A_216 = tpu.vector_load %arg6[%get3A_215] {strides = array<i32>} : memref<1920xf32, #tpu.memory_space<vmem>>, vector<16xf32>,
      %mul3A_217 = arith.constant 64 : i32
      %mul3A_218 = arith.muli %select_n3A_162, %mul3A_217 : i32
      %add3A_219 = arith.constant 48 : i32
      %add3A_220 = arith.addi %mul3A_218, %add3A_219 : i32
      %get3A_221 = arith.index_cast %add3A_220 : i32 to index
      %get3A_222 = tpu.vector_load %arg7[%get3A_221] {strides = array<i32>} : memref<256xf32, #tpu.memory_space<vmem>>, vector<16xf32>,
      %add3A_223 = arith.addf %get3A_216, %get3A_222 : vector<16xf32>
      %swap3A_224 = arith.index_cast %scan3A_131 : i32 to index
      %swap3A_225 = arith.constant 48 : index
      %swap3A_226 = tpu.vector_load %arg8[%swap3A_224, %swap3A_225] {strides = array<i32>} : memref<120x64xf32, #tpu.memory_space<vmem>>, vector<16xf32>,
      tpu.vector_store %arg8[%swap3A_224, %swap3A_225], %add3A_223 {strides = array<i32>} : memref<120x64xf32, #tpu.memory_space<vmem>>, vector<16xf32>,
      %scan3A_227 = arith.constant 0 : i32
      scf.yield %scan3A_227 : i32
    }
    %scan3A_123 = arith.constant 120 : i32
    "tpu.region"() ({
      %run_scoped3A = tpu.sem_alloc : memref<!tpu.dma_semaphore, #tpu.memory_space<semaphore_mem>>
      tpu.enqueue_dma source(%arg8 : memref<120x64xf32, #tpu.memory_space<vmem>>) target(%arg9 : memref<120x64xf32, #tpu.memory_space<vmem_shared>>) target_semaphore(%run_scoped3A : memref<!tpu.dma_semaphore, #tpu.memory_space<semaphore_mem>>)
      tpu.wait_dma2 semaphore(%run_scoped3A : memref<!tpu.dma_semaphore, #tpu.memory_space<semaphore_mem>>) src(%arg8 : memref<120x64xf32, #tpu.memory_space<vmem>>) dst(%arg9 : memref<120x64xf32, #tpu.memory_space<vmem_shared>>)
      tpu.yield
    }) : () -> ()
    %barrier3A = arith.constant 0 : index
    tpu.barrier barrier_id(%barrier3A)
    %iota3A = tpu.iota {dimensions = array<i32: 0>} : vector<16xi32>
    %scan3A_124 = arith.constant 0 : i32
    %scan3A_125 = arith.constant 0 : i32
    %scan3A_126 = arith.constant 40 : i32
    %scan3A_127 = arith.addi %scan3A_125, %scan3A_126 : i32
    %scan3A_128 = arith.constant 1 : i32
    %scan3A_129 = scf.for %scan3A_131 = %scan3A_125 to %scan3A_127 step %scan3A_128 iter_args(%scan3A_132 = %scan3A_124) -> (i32)  : i32 {
      %mul3A_133 = arith.constant 32 : i32
      %mul3A_134 = arith.muli %scan3A_131, %mul3A_133 : i32
      %add3A_135 = arith.addi %add3A, %mul3A_134 : i32
      %lt3A = arith.constant 1250 : i32
      %lt3A_136 = arith.cmpi slt, %add3A_135, %lt3A : i32
      %convert_element_type3A = arith.extui %lt3A_136 : i1 to i32
      %cond3A = arith.constant 0 : i32
      %cond3A_137 = arith.cmpi ne, %convert_element_type3A, %cond3A : i32
      scf.if %cond3A_137 {
        %mul3A_139 = arith.constant 640 : i32
        %mul3A_140 = arith.muli %add3A_135, %mul3A_139 : i32
        %add3A_141 = arith.constant 0 : i32
        %add3A_142 = arith.addi %add3A_141, %mul3A_140 : i32
        "tpu.region"() ({
          %run_scoped3A = tpu.sem_alloc : memref<!tpu.dma_semaphore, #tpu.memory_space<semaphore_mem>>
          %dma_start3A_242 = arith.constant 0 : i32
          %dma_start3A_243 = tpu.memref_slice %arg10[%dma_start3A_242] : memref<2560xi32, #tpu.memory_space<vmem>> -> memref<640xi32, #tpu.memory_space<vmem>>
          %dma_start3A_244 = tpu.memref_slice %arg2[%add3A_142] : memref<3200000xi32, #tpu.memory_space<hbm>> -> memref<640xi32, #tpu.memory_space<hbm>>
          %dma_start3A_245 = arith.constant 0 : i32
          %dma_start3A_246 = tpu.memref_slice %arg10[%dma_start3A_245] : memref<2560xi32, #tpu.memory_space<vmem>> -> memref<640xi32, #tpu.memory_space<vmem>>
          %dma_start3A_247 = tpu.memref_slice %arg2[%add3A_142] : memref<3200000xi32, #tpu.memory_space<hbm>> -> memref<640xi32, #tpu.memory_space<hbm>>
          tpu.enqueue_dma source(%dma_start3A_247 : memref<640xi32, #tpu.memory_space<hbm>>) target(%dma_start3A_246 : memref<640xi32, #tpu.memory_space<vmem>>) target_semaphore(%run_scoped3A : memref<!tpu.dma_semaphore, #tpu.memory_space<semaphore_mem>>)
          %dma_wait3A_248 = arith.constant 0 : i32
          %dma_wait3A_249 = tpu.memref_slice %arg10[%dma_wait3A_248] : memref<2560xi32, #tpu.memory_space<vmem>> -> memref<640xi32, #tpu.memory_space<vmem>>
          %dma_wait3A_250 = tpu.memref_slice %arg2[%add3A_142] : memref<3200000xi32, #tpu.memory_space<hbm>> -> memref<640xi32, #tpu.memory_space<hbm>>
          %dma_wait3A_251 = arith.constant 0 : i32
          %dma_wait3A_252 = tpu.memref_slice %arg10[%dma_wait3A_251] : memref<2560xi32, #tpu.memory_space<vmem>> -> memref<640xi32, #tpu.memory_space<vmem>>
          %dma_wait3A_253 = tpu.memref_slice %arg2[%add3A_142] : memref<3200000xi32, #tpu.memory_space<hbm>> -> memref<640xi32, #tpu.memory_space<hbm>>
          tpu.wait_dma2 semaphore(%run_scoped3A : memref<!tpu.dma_semaphore, #tpu.memory_space<semaphore_mem>>) src(%dma_wait3A_253 : memref<640xi32, #tpu.memory_space<hbm>>) dst(%dma_wait3A_252 : memref<640xi32, #tpu.memory_space<vmem>>)
          tpu.yield
        }) : () -> ()
        %add3A_143 = arith.constant 800000 : i32
        %add3A_144 = arith.addi %add3A_143, %mul3A_140 : i32
        "tpu.region"() ({
          %run_scoped3A = tpu.sem_alloc : memref<!tpu.dma_semaphore, #tpu.memory_space<semaphore_mem>>
          %dma_start3A_242 = arith.constant 640 : i32
          %dma_start3A_243 = tpu.memref_slice %arg10[%dma_start3A_242] : memref<2560xi32, #tpu.memory_space<vmem>> -> memref<640xi32, #tpu.memory_space<vmem>>
          %dma_start3A_244 = tpu.memref_slice %arg2[%add3A_144] : memref<3200000xi32, #tpu.memory_space<hbm>> -> memref<640xi32, #tpu.memory_space<hbm>>
          %dma_start3A_245 = arith.constant 640 : i32
          %dma_start3A_246 = tpu.memref_slice %arg10[%dma_start3A_245] : memref<2560xi32, #tpu.memory_space<vmem>> -> memref<640xi32, #tpu.memory_space<vmem>>
          %dma_start3A_247 = tpu.memref_slice %arg2[%add3A_144] : memref<3200000xi32, #tpu.memory_space<hbm>> -> memref<640xi32, #tpu.memory_space<hbm>>
          tpu.enqueue_dma source(%dma_start3A_247 : memref<640xi32, #tpu.memory_space<hbm>>) target(%dma_start3A_246 : memref<640xi32, #tpu.memory_space<vmem>>) target_semaphore(%run_scoped3A : memref<!tpu.dma_semaphore, #tpu.memory_space<semaphore_mem>>)
          %dma_wait3A_248 = arith.constant 640 : i32
          %dma_wait3A_249 = tpu.memref_slice %arg10[%dma_wait3A_248] : memref<2560xi32, #tpu.memory_space<vmem>> -> memref<640xi32, #tpu.memory_space<vmem>>
          %dma_wait3A_250 = tpu.memref_slice %arg2[%add3A_144] : memref<3200000xi32, #tpu.memory_space<hbm>> -> memref<640xi32, #tpu.memory_space<hbm>>
          %dma_wait3A_251 = arith.constant 640 : i32
          %dma_wait3A_252 = tpu.memref_slice %arg10[%dma_wait3A_251] : memref<2560xi32, #tpu.memory_space<vmem>> -> memref<640xi32, #tpu.memory_space<vmem>>
          %dma_wait3A_253 = tpu.memref_slice %arg2[%add3A_144] : memref<3200000xi32, #tpu.memory_space<hbm>> -> memref<640xi32, #tpu.memory_space<hbm>>
          tpu.wait_dma2 semaphore(%run_scoped3A : memref<!tpu.dma_semaphore, #tpu.memory_space<semaphore_mem>>) src(%dma_wait3A_253 : memref<640xi32, #tpu.memory_space<hbm>>) dst(%dma_wait3A_252 : memref<640xi32, #tpu.memory_space<vmem>>)
          tpu.yield
        }) : () -> ()
        %add3A_145 = arith.constant 1600000 : i32
        %add3A_146 = arith.addi %add3A_145, %mul3A_140 : i32
        "tpu.region"() ({
          %run_scoped3A = tpu.sem_alloc : memref<!tpu.dma_semaphore, #tpu.memory_space<semaphore_mem>>
          %dma_start3A_242 = arith.constant 1280 : i32
          %dma_start3A_243 = tpu.memref_slice %arg10[%dma_start3A_242] : memref<2560xi32, #tpu.memory_space<vmem>> -> memref<640xi32, #tpu.memory_space<vmem>>
          %dma_start3A_244 = tpu.memref_slice %arg2[%add3A_146] : memref<3200000xi32, #tpu.memory_space<hbm>> -> memref<640xi32, #tpu.memory_space<hbm>>
          %dma_start3A_245 = arith.constant 1280 : i32
          %dma_start3A_246 = tpu.memref_slice %arg10[%dma_start3A_245] : memref<2560xi32, #tpu.memory_space<vmem>> -> memref<640xi32, #tpu.memory_space<vmem>>
          %dma_start3A_247 = tpu.memref_slice %arg2[%add3A_146] : memref<3200000xi32, #tpu.memory_space<hbm>> -> memref<640xi32, #tpu.memory_space<hbm>>
          tpu.enqueue_dma source(%dma_start3A_247 : memref<640xi32, #tpu.memory_space<hbm>>) target(%dma_start3A_246 : memref<640xi32, #tpu.memory_space<vmem>>) target_semaphore(%run_scoped3A : memref<!tpu.dma_semaphore, #tpu.memory_space<semaphore_mem>>)
          %dma_wait3A_248 = arith.constant 1280 : i32
          %dma_wait3A_249 = tpu.memref_slice %arg10[%dma_wait3A_248] : memref<2560xi32, #tpu.memory_space<vmem>> -> memref<640xi32, #tpu.memory_space<vmem>>
          %dma_wait3A_250 = tpu.memref_slice %arg2[%add3A_146] : memref<3200000xi32, #tpu.memory_space<hbm>> -> memref<640xi32, #tpu.memory_space<hbm>>
          %dma_wait3A_251 = arith.constant 1280 : i32
          %dma_wait3A_252 = tpu.memref_slice %arg10[%dma_wait3A_251] : memref<2560xi32, #tpu.memory_space<vmem>> -> memref<640xi32, #tpu.memory_space<vmem>>
          %dma_wait3A_253 = tpu.memref_slice %arg2[%add3A_146] : memref<3200000xi32, #tpu.memory_space<hbm>> -> memref<640xi32, #tpu.memory_space<hbm>>
          tpu.wait_dma2 semaphore(%run_scoped3A : memref<!tpu.dma_semaphore, #tpu.memory_space<semaphore_mem>>) src(%dma_wait3A_253 : memref<640xi32, #tpu.memory_space<hbm>>) dst(%dma_wait3A_252 : memref<640xi32, #tpu.memory_space<vmem>>)
          tpu.yield
        }) : () -> ()
        %add3A_147 = arith.constant 2400000 : i32
        %add3A_148 = arith.addi %add3A_147, %mul3A_140 : i32
        "tpu.region"() ({
          %run_scoped3A = tpu.sem_alloc : memref<!tpu.dma_semaphore, #tpu.memory_space<semaphore_mem>>
          %dma_start3A_242 = arith.constant 1920 : i32
          %dma_start3A_243 = tpu.memref_slice %arg10[%dma_start3A_242] : memref<2560xi32, #tpu.memory_space<vmem>> -> memref<640xi32, #tpu.memory_space<vmem>>
          %dma_start3A_244 = tpu.memref_slice %arg2[%add3A_148] : memref<3200000xi32, #tpu.memory_space<hbm>> -> memref<640xi32, #tpu.memory_space<hbm>>
          %dma_start3A_245 = arith.constant 1920 : i32
          %dma_start3A_246 = tpu.memref_slice %arg10[%dma_start3A_245] : memref<2560xi32, #tpu.memory_space<vmem>> -> memref<640xi32, #tpu.memory_space<vmem>>
          %dma_start3A_247 = tpu.memref_slice %arg2[%add3A_148] : memref<3200000xi32, #tpu.memory_space<hbm>> -> memref<640xi32, #tpu.memory_space<hbm>>
          tpu.enqueue_dma source(%dma_start3A_247 : memref<640xi32, #tpu.memory_space<hbm>>) target(%dma_start3A_246 : memref<640xi32, #tpu.memory_space<vmem>>) target_semaphore(%run_scoped3A : memref<!tpu.dma_semaphore, #tpu.memory_space<semaphore_mem>>)
          %dma_wait3A_248 = arith.constant 1920 : i32
          %dma_wait3A_249 = tpu.memref_slice %arg10[%dma_wait3A_248] : memref<2560xi32, #tpu.memory_space<vmem>> -> memref<640xi32, #tpu.memory_space<vmem>>
          %dma_wait3A_250 = tpu.memref_slice %arg2[%add3A_148] : memref<3200000xi32, #tpu.memory_space<hbm>> -> memref<640xi32, #tpu.memory_space<hbm>>
          %dma_wait3A_251 = arith.constant 1920 : i32
          %dma_wait3A_252 = tpu.memref_slice %arg10[%dma_wait3A_251] : memref<2560xi32, #tpu.memory_space<vmem>> -> memref<640xi32, #tpu.memory_space<vmem>>
          %dma_wait3A_253 = tpu.memref_slice %arg2[%add3A_148] : memref<3200000xi32, #tpu.memory_space<hbm>> -> memref<640xi32, #tpu.memory_space<hbm>>
          tpu.wait_dma2 semaphore(%run_scoped3A : memref<!tpu.dma_semaphore, #tpu.memory_space<semaphore_mem>>) src(%dma_wait3A_253 : memref<640xi32, #tpu.memory_space<hbm>>) dst(%dma_wait3A_252 : memref<640xi32, #tpu.memory_space<vmem>>)
          tpu.yield
        }) : () -> ()
        %scan3A_149 = arith.constant 0 : i32
        %scan3A_150 = arith.constant 0 : i32
        %scan3A_151 = arith.constant 8 : i32
        %scan3A_152 = arith.addi %scan3A_150, %scan3A_151 : i32
        %scan3A_153 = arith.constant 1 : i32
        %scan3A_154 = scf.for %scan3A_242 = %scan3A_150 to %scan3A_152 step %scan3A_153 iter_args(%scan3A_243 = %scan3A_149) -> (i32)  : i32 {
          %mul3A_244 = arith.constant 16 : i32
          %mul3A_245 = arith.muli %scan3A_242, %mul3A_244 : i32
          %add3A_246 = arith.constant 0 : i32
          %add3A_247 = arith.addi %add3A_246, %mul3A_245 : i32
          %get3A_248 = arith.index_cast %add3A_247 : i32 to index
          %get3A_249 = tpu.vector_load %arg10[%get3A_248] {strides = array<i32>} : memref<2560xi32, #tpu.memory_space<vmem>>, vector<16xi32>,
          %add3A_250 = arith.constant 640 : i32
          %add3A_251 = arith.addi %add3A_250, %add3A_247 : i32
          %get3A_252 = arith.index_cast %add3A_251 : i32 to index
          %get3A_253 = tpu.vector_load %arg10[%get3A_252] {strides = array<i32>} : memref<2560xi32, #tpu.memory_space<vmem>>, vector<16xi32>,
          %add3A_254 = arith.constant 1280 : i32
          %add3A_255 = arith.addi %add3A_254, %add3A_247 : i32
          %get3A_256 = arith.index_cast %add3A_255 : i32 to index
          %get3A_257 = tpu.vector_load %arg10[%get3A_256] {strides = array<i32>} : memref<2560xi32, #tpu.memory_space<vmem>>, vector<16xi32>,
          %add3A_258 = arith.constant 1920 : i32
          %add3A_259 = arith.addi %add3A_258, %add3A_247 : i32
          %get3A_260 = arith.index_cast %add3A_259 : i32 to index
          %get3A_261 = tpu.vector_load %arg10[%get3A_260] {strides = array<i32>} : memref<2560xi32, #tpu.memory_space<vmem>>, vector<16xi32>,
          %mul3A_262 = arith.constant 24 : i32
          %mul3A_263 = vector.broadcast %mul3A_262 : i32 to vector<16xi32>
          %mul3A_264 = arith.muli %get3A_249, %mul3A_263 : vector<16xi32>
          %mul3A_265 = arith.constant 4 : i32
          %mul3A_266 = vector.broadcast %mul3A_265 : i32 to vector<16xi32>
          %mul3A_267 = arith.muli %get3A_253, %mul3A_266 : vector<16xi32>
          %add3A_268 = arith.addi %mul3A_264, %mul3A_267 : vector<16xi32>
          %mul3A_269 = arith.constant 2 : i32
          %mul3A_270 = vector.broadcast %mul3A_269 : i32 to vector<16xi32>
          %mul3A_271 = arith.muli %get3A_257, %mul3A_270 : vector<16xi32>
          %add3A_272 = arith.addi %add3A_268, %mul3A_271 : vector<16xi32>
          %add3A_273 = arith.addi %add3A_272, %get3A_261 : vector<16xi32>
          %mul3A_274 = arith.constant 4 : i32
          %mul3A_275 = vector.broadcast %mul3A_274 : i32 to vector<16xi32>
          %mul3A_276 = arith.muli %add3A_273, %mul3A_275 : vector<16xi32>
          %mul3A_277 = arith.constant 16 : i32
          %mul3A_278 = arith.muli %scan3A_242, %mul3A_277 : i32
          %swap3A_279 = arith.index_cast %mul3A_278 : i32 to index
          %swap3A_280 = tpu.vector_load %arg11[%swap3A_279] {strides = array<i32>} : memref<128xi32, #tpu.memory_space<vmem>>, vector<16xi32>,
          tpu.vector_store %arg11[%swap3A_279], %mul3A_276 {strides = array<i32>} : memref<128xi32, #tpu.memory_space<vmem>>, vector<16xi32>,
          %scan3A_281 = arith.constant 0 : i32
          scf.yield %scan3A_281 : i32
        }
        %scan3A_155 = arith.constant 8 : i32
        %scan3A_156 = arith.constant 0 : i32
        %scan3A_157 = arith.constant 0 : i32
        %scan3A_158 = arith.constant 8 : i32
        %scan3A_159 = arith.addi %scan3A_157, %scan3A_158 : i32
        %scan3A_160 = arith.constant 1 : i32
        %scan3A_161 = scf.for %scan3A_242 = %scan3A_157 to %scan3A_159 step %scan3A_160 iter_args(%scan3A_243 = %scan3A_156) -> (i32)  : i32 {
          %mul3A_244 = arith.constant 16 : i32
          %mul3A_245 = arith.muli %scan3A_242, %mul3A_244 : i32
          %add3A_246 = arith.constant 128 : i32
          %add3A_247 = arith.addi %add3A_246, %mul3A_245 : i32
          %get3A_248 = arith.index_cast %add3A_247 : i32 to index
          %get3A_249 = tpu.vector_load %arg10[%get3A_248] {strides = array<i32>} : memref<2560xi32, #tpu.memory_space<vmem>>, vector<16xi32>,
          %add3A_250 = arith.constant 640 : i32
          %add3A_251 = arith.addi %add3A_250, %add3A_247 : i32
          %get3A_252 = arith.index_cast %add3A_251 : i32 to index
          %get3A_253 = tpu.vector_load %arg10[%get3A_252] {strides = array<i32>} : memref<2560xi32, #tpu.memory_space<vmem>>, vector<16xi32>,
          %add3A_254 = arith.constant 1280 : i32
          %add3A_255 = arith.addi %add3A_254, %add3A_247 : i32
          %get3A_256 = arith.index_cast %add3A_255 : i32 to index
          %get3A_257 = tpu.vector_load %arg10[%get3A_256] {strides = array<i32>} : memref<2560xi32, #tpu.memory_space<vmem>>, vector<16xi32>,
          %add3A_258 = arith.constant 1920 : i32
          %add3A_259 = arith.addi %add3A_258, %add3A_247 : i32
          %get3A_260 = arith.index_cast %add3A_259 : i32 to index
          %get3A_261 = tpu.vector_load %arg10[%get3A_260] {strides = array<i32>} : memref<2560xi32, #tpu.memory_space<vmem>>, vector<16xi32>,
          %mul3A_262 = arith.constant 24 : i32
          %mul3A_263 = vector.broadcast %mul3A_262 : i32 to vector<16xi32>
          %mul3A_264 = arith.muli %get3A_249, %mul3A_263 : vector<16xi32>
          %mul3A_265 = arith.constant 4 : i32
          %mul3A_266 = vector.broadcast %mul3A_265 : i32 to vector<16xi32>
          %mul3A_267 = arith.muli %get3A_253, %mul3A_266 : vector<16xi32>
          %add3A_268 = arith.addi %mul3A_264, %mul3A_267 : vector<16xi32>
          %mul3A_269 = arith.constant 2 : i32
          %mul3A_270 = vector.broadcast %mul3A_269 : i32 to vector<16xi32>
          %mul3A_271 = arith.muli %get3A_257, %mul3A_270 : vector<16xi32>
          %add3A_272 = arith.addi %add3A_268, %mul3A_271 : vector<16xi32>
          %add3A_273 = arith.addi %add3A_272, %get3A_261 : vector<16xi32>
          %mul3A_274 = arith.constant 4 : i32
          %mul3A_275 = vector.broadcast %mul3A_274 : i32 to vector<16xi32>
          %mul3A_276 = arith.muli %add3A_273, %mul3A_275 : vector<16xi32>
          %mul3A_277 = arith.constant 16 : i32
          %mul3A_278 = arith.muli %scan3A_242, %mul3A_277 : i32
          %swap3A_279 = arith.index_cast %mul3A_278 : i32 to index
          %swap3A_280 = tpu.vector_load %arg12[%swap3A_279] {strides = array<i32>} : memref<128xi32, #tpu.memory_space<vmem>>, vector<16xi32>,
          tpu.vector_store %arg12[%swap3A_279], %mul3A_276 {strides = array<i32>} : memref<128xi32, #tpu.memory_space<vmem>>, vector<16xi32>,
          %scan3A_281 = arith.constant 0 : i32
          scf.yield %scan3A_281 : i32
        }
        %scan3A_162 = arith.constant 8 : i32
        %scan3A_163 = arith.constant 0 : i32
        %scan3A_164 = arith.constant 0 : i32
        %scan3A_165 = arith.constant 8 : i32
        %scan3A_166 = arith.addi %scan3A_164, %scan3A_165 : i32
        %scan3A_167 = arith.constant 1 : i32
        %scan3A_168 = scf.for %scan3A_242 = %scan3A_164 to %scan3A_166 step %scan3A_167 iter_args(%scan3A_243 = %scan3A_163) -> (i32)  : i32 {
          %mul3A_244 = arith.constant 16 : i32
          %mul3A_245 = arith.muli %scan3A_242, %mul3A_244 : i32
          %add3A_246 = arith.constant 256 : i32
          %add3A_247 = arith.addi %add3A_246, %mul3A_245 : i32
          %get3A_248 = arith.index_cast %add3A_247 : i32 to index
          %get3A_249 = tpu.vector_load %arg10[%get3A_248] {strides = array<i32>} : memref<2560xi32, #tpu.memory_space<vmem>>, vector<16xi32>,
          %add3A_250 = arith.constant 640 : i32
          %add3A_251 = arith.addi %add3A_250, %add3A_247 : i32
          %get3A_252 = arith.index_cast %add3A_251 : i32 to index
          %get3A_253 = tpu.vector_load %arg10[%get3A_252] {strides = array<i32>} : memref<2560xi32, #tpu.memory_space<vmem>>, vector<16xi32>,
          %add3A_254 = arith.constant 1280 : i32
          %add3A_255 = arith.addi %add3A_254, %add3A_247 : i32
          %get3A_256 = arith.index_cast %add3A_255 : i32 to index
          %get3A_257 = tpu.vector_load %arg10[%get3A_256] {strides = array<i32>} : memref<2560xi32, #tpu.memory_space<vmem>>, vector<16xi32>,
          %add3A_258 = arith.constant 1920 : i32
          %add3A_259 = arith.addi %add3A_258, %add3A_247 : i32
          %get3A_260 = arith.index_cast %add3A_259 : i32 to index
          %get3A_261 = tpu.vector_load %arg10[%get3A_260] {strides = array<i32>} : memref<2560xi32, #tpu.memory_space<vmem>>, vector<16xi32>,
          %mul3A_262 = arith.constant 24 : i32
          %mul3A_263 = vector.broadcast %mul3A_262 : i32 to vector<16xi32>
          %mul3A_264 = arith.muli %get3A_249, %mul3A_263 : vector<16xi32>
          %mul3A_265 = arith.constant 4 : i32
          %mul3A_266 = vector.broadcast %mul3A_265 : i32 to vector<16xi32>
          %mul3A_267 = arith.muli %get3A_253, %mul3A_266 : vector<16xi32>
          %add3A_268 = arith.addi %mul3A_264, %mul3A_267 : vector<16xi32>
          %mul3A_269 = arith.constant 2 : i32
          %mul3A_270 = vector.broadcast %mul3A_269 : i32 to vector<16xi32>
          %mul3A_271 = arith.muli %get3A_257, %mul3A_270 : vector<16xi32>
          %add3A_272 = arith.addi %add3A_268, %mul3A_271 : vector<16xi32>
          %add3A_273 = arith.addi %add3A_272, %get3A_261 : vector<16xi32>
          %mul3A_274 = arith.constant 4 : i32
          %mul3A_275 = vector.broadcast %mul3A_274 : i32 to vector<16xi32>
          %mul3A_276 = arith.muli %add3A_273, %mul3A_275 : vector<16xi32>
          %mul3A_277 = arith.constant 16 : i32
          %mul3A_278 = arith.muli %scan3A_242, %mul3A_277 : i32
          %swap3A_279 = arith.index_cast %mul3A_278 : i32 to index
          %swap3A_280 = tpu.vector_load %arg13[%swap3A_279] {strides = array<i32>} : memref<128xi32, #tpu.memory_space<vmem>>, vector<16xi32>,
          tpu.vector_store %arg13[%swap3A_279], %mul3A_276 {strides = array<i32>} : memref<128xi32, #tpu.memory_space<vmem>>, vector<16xi32>,
          %scan3A_281 = arith.constant 0 : i32
          scf.yield %scan3A_281 : i32
        }
        %scan3A_169 = arith.constant 8 : i32
        %scan3A_170 = arith.constant 0 : i32
        %scan3A_171 = arith.constant 0 : i32
        %scan3A_172 = arith.constant 8 : i32
        %scan3A_173 = arith.addi %scan3A_171, %scan3A_172 : i32
        %scan3A_174 = arith.constant 1 : i32
        %scan3A_175 = scf.for %scan3A_242 = %scan3A_171 to %scan3A_173 step %scan3A_174 iter_args(%scan3A_243 = %scan3A_170) -> (i32)  : i32 {
          %mul3A_244 = arith.constant 16 : i32
          %mul3A_245 = arith.muli %scan3A_242, %mul3A_244 : i32
          %add3A_246 = arith.constant 384 : i32
          %add3A_247 = arith.addi %add3A_246, %mul3A_245 : i32
          %get3A_248 = arith.index_cast %add3A_247 : i32 to index
          %get3A_249 = tpu.vector_load %arg10[%get3A_248] {strides = array<i32>} : memref<2560xi32, #tpu.memory_space<vmem>>, vector<16xi32>,
          %add3A_250 = arith.constant 640 : i32
          %add3A_251 = arith.addi %add3A_250, %add3A_247 : i32
          %get3A_252 = arith.index_cast %add3A_251 : i32 to index
          %get3A_253 = tpu.vector_load %arg10[%get3A_252] {strides = array<i32>} : memref<2560xi32, #tpu.memory_space<vmem>>, vector<16xi32>,
          %add3A_254 = arith.constant 1280 : i32
          %add3A_255 = arith.addi %add3A_254, %add3A_247 : i32
          %get3A_256 = arith.index_cast %add3A_255 : i32 to index
          %get3A_257 = tpu.vector_load %arg10[%get3A_256] {strides = array<i32>} : memref<2560xi32, #tpu.memory_space<vmem>>, vector<16xi32>,
          %add3A_258 = arith.constant 1920 : i32
          %add3A_259 = arith.addi %add3A_258, %add3A_247 : i32
          %get3A_260 = arith.index_cast %add3A_259 : i32 to index
          %get3A_261 = tpu.vector_load %arg10[%get3A_260] {strides = array<i32>} : memref<2560xi32, #tpu.memory_space<vmem>>, vector<16xi32>,
          %mul3A_262 = arith.constant 24 : i32
          %mul3A_263 = vector.broadcast %mul3A_262 : i32 to vector<16xi32>
          %mul3A_264 = arith.muli %get3A_249, %mul3A_263 : vector<16xi32>
          %mul3A_265 = arith.constant 4 : i32
          %mul3A_266 = vector.broadcast %mul3A_265 : i32 to vector<16xi32>
          %mul3A_267 = arith.muli %get3A_253, %mul3A_266 : vector<16xi32>
          %add3A_268 = arith.addi %mul3A_264, %mul3A_267 : vector<16xi32>
          %mul3A_269 = arith.constant 2 : i32
          %mul3A_270 = vector.broadcast %mul3A_269 : i32 to vector<16xi32>
          %mul3A_271 = arith.muli %get3A_257, %mul3A_270 : vector<16xi32>
          %add3A_272 = arith.addi %add3A_268, %mul3A_271 : vector<16xi32>
          %add3A_273 = arith.addi %add3A_272, %get3A_261 : vector<16xi32>
          %mul3A_274 = arith.constant 4 : i32
          %mul3A_275 = vector.broadcast %mul3A_274 : i32 to vector<16xi32>
          %mul3A_276 = arith.muli %add3A_273, %mul3A_275 : vector<16xi32>
          %mul3A_277 = arith.constant 16 : i32
          %mul3A_278 = arith.muli %scan3A_242, %mul3A_277 : i32
          %swap3A_279 = arith.index_cast %mul3A_278 : i32 to index
          %swap3A_280 = tpu.vector_load %arg14[%swap3A_279] {strides = array<i32>} : memref<128xi32, #tpu.memory_space<vmem>>, vector<16xi32>,
          tpu.vector_store %arg14[%swap3A_279], %mul3A_276 {strides = array<i32>} : memref<128xi32, #tpu.memory_space<vmem>>, vector<16xi32>,
          %scan3A_281 = arith.constant 0 : i32
          scf.yield %scan3A_281 : i32
        }
        %scan3A_176 = arith.constant 8 : i32
        %scan3A_177 = arith.constant 0 : i32
        %scan3A_178 = arith.constant 0 : i32
        %scan3A_179 = arith.constant 8 : i32
        %scan3A_180 = arith.addi %scan3A_178, %scan3A_179 : i32
        %scan3A_181 = arith.constant 1 : i32
        %scan3A_182 = scf.for %scan3A_242 = %scan3A_178 to %scan3A_180 step %scan3A_181 iter_args(%scan3A_243 = %scan3A_177) -> (i32)  : i32 {
          %mul3A_244 = arith.constant 16 : i32
          %mul3A_245 = arith.muli %scan3A_242, %mul3A_244 : i32
          %add3A_246 = arith.constant 512 : i32
          %add3A_247 = arith.addi %add3A_246, %mul3A_245 : i32
          %get3A_248 = arith.index_cast %add3A_247 : i32 to index
          %get3A_249 = tpu.vector_load %arg10[%get3A_248] {strides = array<i32>} : memref<2560xi32, #tpu.memory_space<vmem>>, vector<16xi32>,
          %add3A_250 = arith.constant 640 : i32
          %add3A_251 = arith.addi %add3A_250, %add3A_247 : i32
          %get3A_252 = arith.index_cast %add3A_251 : i32 to index
          %get3A_253 = tpu.vector_load %arg10[%get3A_252] {strides = array<i32>} : memref<2560xi32, #tpu.memory_space<vmem>>, vector<16xi32>,
          %add3A_254 = arith.constant 1280 : i32
          %add3A_255 = arith.addi %add3A_254, %add3A_247 : i32
          %get3A_256 = arith.index_cast %add3A_255 : i32 to index
          %get3A_257 = tpu.vector_load %arg10[%get3A_256] {strides = array<i32>} : memref<2560xi32, #tpu.memory_space<vmem>>, vector<16xi32>,
          %add3A_258 = arith.constant 1920 : i32
          %add3A_259 = arith.addi %add3A_258, %add3A_247 : i32
          %get3A_260 = arith.index_cast %add3A_259 : i32 to index
          %get3A_261 = tpu.vector_load %arg10[%get3A_260] {strides = array<i32>} : memref<2560xi32, #tpu.memory_space<vmem>>, vector<16xi32>,
          %mul3A_262 = arith.constant 24 : i32
          %mul3A_263 = vector.broadcast %mul3A_262 : i32 to vector<16xi32>
          %mul3A_264 = arith.muli %get3A_249, %mul3A_263 : vector<16xi32>
          %mul3A_265 = arith.constant 4 : i32
          %mul3A_266 = vector.broadcast %mul3A_265 : i32 to vector<16xi32>
          %mul3A_267 = arith.muli %get3A_253, %mul3A_266 : vector<16xi32>
          %add3A_268 = arith.addi %mul3A_264, %mul3A_267 : vector<16xi32>
          %mul3A_269 = arith.constant 2 : i32
          %mul3A_270 = vector.broadcast %mul3A_269 : i32 to vector<16xi32>
          %mul3A_271 = arith.muli %get3A_257, %mul3A_270 : vector<16xi32>
          %add3A_272 = arith.addi %add3A_268, %mul3A_271 : vector<16xi32>
          %add3A_273 = arith.addi %add3A_272, %get3A_261 : vector<16xi32>
          %mul3A_274 = arith.constant 4 : i32
          %mul3A_275 = vector.broadcast %mul3A_274 : i32 to vector<16xi32>
          %mul3A_276 = arith.muli %add3A_273, %mul3A_275 : vector<16xi32>
          %mul3A_277 = arith.constant 16 : i32
          %mul3A_278 = arith.muli %scan3A_242, %mul3A_277 : i32
          %swap3A_279 = arith.index_cast %mul3A_278 : i32 to index
          %swap3A_280 = tpu.vector_load %arg15[%swap3A_279] {strides = array<i32>} : memref<128xi32, #tpu.memory_space<vmem>>, vector<16xi32>,
          tpu.vector_store %arg15[%swap3A_279], %mul3A_276 {strides = array<i32>} : memref<128xi32, #tpu.memory_space<vmem>>, vector<16xi32>,
          %scan3A_281 = arith.constant 0 : i32
          scf.yield %scan3A_281 : i32
        }
        %scan3A_183 = arith.constant 8 : i32
        %dma_start3A = arith.constant 0 : i32
        %dma_start3A_184 = arith.constant 0 : i32
        %dma_start3A_185 = tpu.memref_slice %arg16[%dma_start3A, %dma_start3A_184] : memref<640x64xf32, #tpu.memory_space<vmem>> -> memref<128x64xf32, #tpu.memory_space<vmem>>
        %dma_start3A_186 = arith.constant 0 : i32
        %dma_start3A_187 = arith.constant 0 : i32
        %dma_start3A_188 = tpu.memref_slice %arg9[%dma_start3A_186, %dma_start3A_187] : memref<120x64xf32, #tpu.memory_space<vmem_shared>> -> memref<120x64xf32, #tpu.memory_space<vmem_shared>>
        tpu.enqueue_indirect_dma source(%dma_start3A_188 : memref<120x64xf32, #tpu.memory_space<vmem_shared>>) target(%dma_start3A_185 : memref<128x64xf32, #tpu.memory_space<vmem>>) offsets(%arg11 : memref<128xi32, #tpu.memory_space<vmem>>) semaphore(%arg17 : memref<!tpu.dma_semaphore, #tpu.memory_space<semaphore_mem>>)
        %dma_start3A_189 = arith.constant 128 : i32
        %dma_start3A_190 = arith.constant 0 : i32
        %dma_start3A_191 = tpu.memref_slice %arg16[%dma_start3A_189, %dma_start3A_190] : memref<640x64xf32, #tpu.memory_space<vmem>> -> memref<128x64xf32, #tpu.memory_space<vmem>>
        %dma_start3A_192 = arith.constant 0 : i32
        %dma_start3A_193 = arith.constant 0 : i32
        %dma_start3A_194 = tpu.memref_slice %arg9[%dma_start3A_192, %dma_start3A_193] : memref<120x64xf32, #tpu.memory_space<vmem_shared>> -> memref<120x64xf32, #tpu.memory_space<vmem_shared>>
        tpu.enqueue_indirect_dma source(%dma_start3A_194 : memref<120x64xf32, #tpu.memory_space<vmem_shared>>) target(%dma_start3A_191 : memref<128x64xf32, #tpu.memory_space<vmem>>) offsets(%arg12 : memref<128xi32, #tpu.memory_space<vmem>>) semaphore(%arg17 : memref<!tpu.dma_semaphore, #tpu.memory_space<semaphore_mem>>)
        %dma_start3A_195 = arith.constant 256 : i32
        %dma_start3A_196 = arith.constant 0 : i32
        %dma_start3A_197 = tpu.memref_slice %arg16[%dma_start3A_195, %dma_start3A_196] : memref<640x64xf32, #tpu.memory_space<vmem>> -> memref<128x64xf32, #tpu.memory_space<vmem>>
        %dma_start3A_198 = arith.constant 0 : i32
        %dma_start3A_199 = arith.constant 0 : i32
        %dma_start3A_200 = tpu.memref_slice %arg9[%dma_start3A_198, %dma_start3A_199] : memref<120x64xf32, #tpu.memory_space<vmem_shared>> -> memref<120x64xf32, #tpu.memory_space<vmem_shared>>
        tpu.enqueue_indirect_dma source(%dma_start3A_200 : memref<120x64xf32, #tpu.memory_space<vmem_shared>>) target(%dma_start3A_197 : memref<128x64xf32, #tpu.memory_space<vmem>>) offsets(%arg13 : memref<128xi32, #tpu.memory_space<vmem>>) semaphore(%arg17 : memref<!tpu.dma_semaphore, #tpu.memory_space<semaphore_mem>>)
        %dma_start3A_201 = arith.constant 384 : i32
        %dma_start3A_202 = arith.constant 0 : i32
        %dma_start3A_203 = tpu.memref_slice %arg16[%dma_start3A_201, %dma_start3A_202] : memref<640x64xf32, #tpu.memory_space<vmem>> -> memref<128x64xf32, #tpu.memory_space<vmem>>
        %dma_start3A_204 = arith.constant 0 : i32
        %dma_start3A_205 = arith.constant 0 : i32
        %dma_start3A_206 = tpu.memref_slice %arg9[%dma_start3A_204, %dma_start3A_205] : memref<120x64xf32, #tpu.memory_space<vmem_shared>> -> memref<120x64xf32, #tpu.memory_space<vmem_shared>>
        tpu.enqueue_indirect_dma source(%dma_start3A_206 : memref<120x64xf32, #tpu.memory_space<vmem_shared>>) target(%dma_start3A_203 : memref<128x64xf32, #tpu.memory_space<vmem>>) offsets(%arg14 : memref<128xi32, #tpu.memory_space<vmem>>) semaphore(%arg17 : memref<!tpu.dma_semaphore, #tpu.memory_space<semaphore_mem>>)
        %dma_start3A_207 = arith.constant 512 : i32
        %dma_start3A_208 = arith.constant 0 : i32
        %dma_start3A_209 = tpu.memref_slice %arg16[%dma_start3A_207, %dma_start3A_208] : memref<640x64xf32, #tpu.memory_space<vmem>> -> memref<128x64xf32, #tpu.memory_space<vmem>>
        %dma_start3A_210 = arith.constant 0 : i32
        %dma_start3A_211 = arith.constant 0 : i32
        %dma_start3A_212 = tpu.memref_slice %arg9[%dma_start3A_210, %dma_start3A_211] : memref<120x64xf32, #tpu.memory_space<vmem_shared>> -> memref<120x64xf32, #tpu.memory_space<vmem_shared>>
        tpu.enqueue_indirect_dma source(%dma_start3A_212 : memref<120x64xf32, #tpu.memory_space<vmem_shared>>) target(%dma_start3A_209 : memref<128x64xf32, #tpu.memory_space<vmem>>) offsets(%arg15 : memref<128xi32, #tpu.memory_space<vmem>>) semaphore(%arg17 : memref<!tpu.dma_semaphore, #tpu.memory_space<semaphore_mem>>)
        %dma_wait3A = arith.constant 0 : i32
        %dma_wait3A_213 = arith.constant 0 : i32
        %dma_wait3A_214 = tpu.memref_slice %arg16[%dma_wait3A, %dma_wait3A_213] : memref<640x64xf32, #tpu.memory_space<vmem>> -> memref<128x64xf32, #tpu.memory_space<vmem>>
        %dma_wait3A_215 = arith.constant 0 : i32
        %dma_wait3A_216 = arith.constant 0 : i32
        %dma_wait3A_217 = tpu.memref_slice %arg9[%dma_wait3A_215, %dma_wait3A_216] : memref<120x64xf32, #tpu.memory_space<vmem_shared>> -> memref<120x64xf32, #tpu.memory_space<vmem_shared>>
        tpu.wait_indirect_dma semaphore(%arg17 : memref<!tpu.dma_semaphore, #tpu.memory_space<semaphore_mem>>) src(%dma_wait3A_217 : memref<120x64xf32, #tpu.memory_space<vmem_shared>>) dst(%dma_wait3A_214 : memref<128x64xf32, #tpu.memory_space<vmem>>)
        %dma_wait3A_218 = arith.constant 128 : i32
        %dma_wait3A_219 = arith.constant 0 : i32
        %dma_wait3A_220 = tpu.memref_slice %arg16[%dma_wait3A_218, %dma_wait3A_219] : memref<640x64xf32, #tpu.memory_space<vmem>> -> memref<128x64xf32, #tpu.memory_space<vmem>>
        %dma_wait3A_221 = arith.constant 0 : i32
        %dma_wait3A_222 = arith.constant 0 : i32
        %dma_wait3A_223 = tpu.memref_slice %arg9[%dma_wait3A_221, %dma_wait3A_222] : memref<120x64xf32, #tpu.memory_space<vmem_shared>> -> memref<120x64xf32, #tpu.memory_space<vmem_shared>>
        tpu.wait_indirect_dma semaphore(%arg17 : memref<!tpu.dma_semaphore, #tpu.memory_space<semaphore_mem>>) src(%dma_wait3A_223 : memref<120x64xf32, #tpu.memory_space<vmem_shared>>) dst(%dma_wait3A_220 : memref<128x64xf32, #tpu.memory_space<vmem>>)
        %dma_wait3A_224 = arith.constant 256 : i32
        %dma_wait3A_225 = arith.constant 0 : i32
        %dma_wait3A_226 = tpu.memref_slice %arg16[%dma_wait3A_224, %dma_wait3A_225] : memref<640x64xf32, #tpu.memory_space<vmem>> -> memref<128x64xf32, #tpu.memory_space<vmem>>
        %dma_wait3A_227 = arith.constant 0 : i32
        %dma_wait3A_228 = arith.constant 0 : i32
        %dma_wait3A_229 = tpu.memref_slice %arg9[%dma_wait3A_227, %dma_wait3A_228] : memref<120x64xf32, #tpu.memory_space<vmem_shared>> -> memref<120x64xf32, #tpu.memory_space<vmem_shared>>
        tpu.wait_indirect_dma semaphore(%arg17 : memref<!tpu.dma_semaphore, #tpu.memory_space<semaphore_mem>>) src(%dma_wait3A_229 : memref<120x64xf32, #tpu.memory_space<vmem_shared>>) dst(%dma_wait3A_226 : memref<128x64xf32, #tpu.memory_space<vmem>>)
        %dma_wait3A_230 = arith.constant 384 : i32
        %dma_wait3A_231 = arith.constant 0 : i32
        %dma_wait3A_232 = tpu.memref_slice %arg16[%dma_wait3A_230, %dma_wait3A_231] : memref<640x64xf32, #tpu.memory_space<vmem>> -> memref<128x64xf32, #tpu.memory_space<vmem>>
        %dma_wait3A_233 = arith.constant 0 : i32
        %dma_wait3A_234 = arith.constant 0 : i32
        %dma_wait3A_235 = tpu.memref_slice %arg9[%dma_wait3A_233, %dma_wait3A_234] : memref<120x64xf32, #tpu.memory_space<vmem_shared>> -> memref<120x64xf32, #tpu.memory_space<vmem_shared>>
        tpu.wait_indirect_dma semaphore(%arg17 : memref<!tpu.dma_semaphore, #tpu.memory_space<semaphore_mem>>) src(%dma_wait3A_235 : memref<120x64xf32, #tpu.memory_space<vmem_shared>>) dst(%dma_wait3A_232 : memref<128x64xf32, #tpu.memory_space<vmem>>)
        %dma_wait3A_236 = arith.constant 512 : i32
        %dma_wait3A_237 = arith.constant 0 : i32
        %dma_wait3A_238 = tpu.memref_slice %arg16[%dma_wait3A_236, %dma_wait3A_237] : memref<640x64xf32, #tpu.memory_space<vmem>> -> memref<128x64xf32, #tpu.memory_space<vmem>>
        %dma_wait3A_239 = arith.constant 0 : i32
        %dma_wait3A_240 = arith.constant 0 : i32
        %dma_wait3A_241 = tpu.memref_slice %arg9[%dma_wait3A_239, %dma_wait3A_240] : memref<120x64xf32, #tpu.memory_space<vmem_shared>> -> memref<120x64xf32, #tpu.memory_space<vmem_shared>>
        tpu.wait_indirect_dma semaphore(%arg17 : memref<!tpu.dma_semaphore, #tpu.memory_space<semaphore_mem>>) src(%dma_wait3A_241 : memref<120x64xf32, #tpu.memory_space<vmem_shared>>) dst(%dma_wait3A_238 : memref<128x64xf32, #tpu.memory_space<vmem>>)
        "tpu.region"() ({
          %run_scoped3A = tpu.sem_alloc : memref<!tpu.dma_semaphore, #tpu.memory_space<semaphore_mem>>
          %dma_start3A_242 = arith.constant 0 : i32
          %dma_start3A_243 = tpu.memref_slice %arg4[%mul3A_140, %dma_start3A_242] : memref<800000x64xf32, #tpu.memory_space<hbm>> -> memref<640x64xf32, #tpu.memory_space<hbm>>
          %dma_start3A_244 = arith.constant 0 : i32
          %dma_start3A_245 = tpu.memref_slice %arg4[%mul3A_140, %dma_start3A_244] : memref<800000x64xf32, #tpu.memory_space<hbm>> -> memref<640x64xf32, #tpu.memory_space<hbm>>
          tpu.enqueue_dma source(%arg16 : memref<640x64xf32, #tpu.memory_space<vmem>>) target(%dma_start3A_245 : memref<640x64xf32, #tpu.memory_space<hbm>>) target_semaphore(%run_scoped3A : memref<!tpu.dma_semaphore, #tpu.memory_space<semaphore_mem>>)
          %dma_wait3A_246 = arith.constant 0 : i32
          %dma_wait3A_247 = tpu.memref_slice %arg4[%mul3A_140, %dma_wait3A_246] : memref<800000x64xf32, #tpu.memory_space<hbm>> -> memref<640x64xf32, #tpu.memory_space<hbm>>
          %dma_wait3A_248 = arith.constant 0 : i32
          %dma_wait3A_249 = tpu.memref_slice %arg4[%mul3A_140, %dma_wait3A_248] : memref<800000x64xf32, #tpu.memory_space<hbm>> -> memref<640x64xf32, #tpu.memory_space<hbm>>
          tpu.wait_dma2 semaphore(%run_scoped3A : memref<!tpu.dma_semaphore, #tpu.memory_space<semaphore_mem>>) src(%arg16 : memref<640x64xf32, #tpu.memory_space<vmem>>) dst(%dma_wait3A_249 : memref<640x64xf32, #tpu.memory_space<hbm>>)
          tpu.yield
        }) : () -> ()
      } else {
      }
      %scan3A_138 = arith.constant 0 : i32
      scf.yield %scan3A_138 : i32
    }
    %scan3A_130 = arith.constant 40 : i32
    return
  }
}

</mosaic_0001>

<sc_bundles>
// kernel: _edge_encode.3.cloned.1.call-start
scs
__scs_entry_jumppad:
0x0: {  	(pc) =	sbr.rel $0x88, $3  }
0x1: {  	(tag) =	ssettag $0x0;
	lr =	simm.s32 $0x1  }
0x2: {  	[smem:$0x3F9F] =	sst lr;
	_ =	strace $0xD0000000  }
0x3: {  	_ = 	snop  }
0x4: {  	_ = 	snop  }
0x5: {  	_ = 	snop  }
0x6: {  	_ = 	snop  }
0x7: {  	_ = 	snop  }
__scs_overlays_trampoline_lowered:
0x8: {  	[smem:$0x3FAE] =	sst s0  }
0x9: {  	[smem:$0x3FAF] =	sst s1  }
0xa: {  	[smem:$0x3FB0] =	sst s2  }
0xb: {  	[smem:$0x3FB1] =	sst s3  }
0xc: {  	[smem:$0x3FB2] =	sst s4  }
0xd: {  	[smem:$0x3FB3] =	sst s5  }
0xe: {  	[smem:$0x3FB4] =	sst s6  }
0xf: {  	[smem:$0x3FB5] =	sst s7  }
0x10: {  	[smem:$0x3FB6] =	sst s8  }
0x11: {  	[smem:$0x3FB7] =	sst s9;
	s0 =	simm.s32 @!p0 $0x0  }
0x12: {  	s1 =	sld [smem:$0x3F9D];
	s0 =	simm.s32 @p0 $0x1  }
0x13: {  	[smem:$0x3FB8] =	sst s0;
	s0 =	simm.s32 @!p1 $0x0  }
0x14: {  	s2 =	sld [smem:$0x3F9C];
	s0 =	simm.s32 @p1 $0x1  }
0x15: {  	[smem:$0x3FB9] =	sst s0;
	s0 =	simm.s32 @!p2 $0x0  }
0x16: {  	s3 =	sld [smem:$0x3FDB];
	s0 =	simm.s32 @p2 $0x1  }
0x17: {  	s4 =	simm.s32 $0x1BF5;
	[smem:$0x3FBB] =	sst s0  }
0x18: {  	s0 =	sld [smem:$0x3F9E];
	_ =	swait.ge [sflag:s4], $0x0  }
0x19: {  	s7 =	sld [smem:$0x3F9F]  }
0x1a: {  	s8 =	sadd.s32 $0xFFFFE003, lr  }
0x1b: {  	s9 =	sadd.s32 $0xFFFFFEF7, lr;
	s5 =	simm.s32 $0xFFFFFFFF;
	p2 =	slt.u32 s8, $0xFFFFF086  }
0x1c: {  	p1 =	slt.u32 s9, $0xF7A;
	s5 =	simm.s32 @!p2 $0x0  }
0x1d: {  	s5 =	simm.s32 @p1 $0x1;
	p0 =	seq.s32 s7, s2  }
0x1e: {  	s7 =	smul.u32 @!p0 $0xF7A, s2;
	p2 =	seq.s32 @!p0 s5, $0x0  }
0x1f: {  	s9 =	smul.u32 $0xF7A, s1;
	s8 =	simm.s32 @!p0 $0x1BF5;
	p2 =	por !p2, p0  }
0x20: {  	[sflag:s8] =	ssyncset.s32 @!p0 $0xFFFFF086;
	s6 =	sadd.s32 @!p0 s3, s7;
	s7 =	simm.s32 @!p0 $0x108  }
0x21: {  	s3 =	sadd.s32 s3, s9;
	s6 =	sadd.s32 @!p0 $0x88, s6;
	s7 =	simm.s32 @p2 $0x1082  }
0x22: {  	[simem:s7], [sflag:s8] =	dma.local @!p0 [hbm:s6], $0xF7A  }
0x23: {  	s9 =	sor.u32 $0xD0000000, s2;
	s6 =	simm.s32 $0x108;
	_ =	swait.ge @!p0 [sflag:s8], $0x0  }
0x24: {  	s3 =	sadd.s32 $0x88, s3;
	s6 =	simm.s32 @!p1 $0x1082;
	[sflag:s4] =	ssyncset.s32 $0xFFFFF086  }
0x25: {  	[simem:s6], [sflag:s4] =	dma.local [hbm:s3], $0xF7A  }
0x26: {  	[smem:$0x3F9F] =	sst s1;
	(tag) =	ssettag s2;
	_ =	strace s9  }
0x27: {  	s1 =	sld [smem:$0x3FAF]  }
0x28: {  	s2 =	sld [smem:$0x3FB0]  }
0x29: {  	s4 =	sld [smem:$0x3FB2]  }
0x2a: {  	p0 =	seq.s32 s5, $0x0;
	s5 =	sld [smem:$0x3FB3]  }
0x2b: {  	s6 =	sld [smem:$0x3FB4]  }
0x2c: {  	s7 =	sld [smem:$0x3FB5]  }
0x2d: {  	s3 =	simm.s32 $0x108;
	s8 =	sld [smem:$0x3FB6]  }
0x2e: {  	s3 =	simm.s32 @!p0 $0x1082;
	s9 =	sld [smem:$0x3FB7]  }
0x2f: {  	lr =	sadd.s32 s0, s3;
	s0 =	sld [smem:$0x3FAE]  }
0x30: {  	s3 =	sld [smem:$0x3FB1]  }
0x31: {  	[smem:$0x3FBA] =	sst s10  }
0x32: {  	s10 =	sld [smem:$0x3FB8];
	_ =	sdelay $0x3  }
0x33: {  	p0 =	seq.s32 s10, $0x1;
	s10 =	sld [smem:$0x3FBA];
	_ =	sdelay $0x3  }
0x34: {  	[smem:$0x3FBA] =	sst s10  }
0x35: {  	s10 =	sld [smem:$0x3FB9];
	_ =	sdelay $0x3  }
0x36: {  	p1 =	seq.s32 s10, $0x1;
	s10 =	sld [smem:$0x3FBA];
	_ =	sdelay $0x3  }
0x37: {  	[smem:$0x3FBA] =	sst s10  }
0x38: {  	s10 =	sld [smem:$0x3FBB]  }
0x39: {  	_ = 	snop;
	(pc) =	sbr.ind lr, $3  }
0x3a: {  	_ = 	snop  }
0x3b: {  	_ = 	snop  }
0x3c: {  	p2 =	seq.s32 s10, $0x1;
	s10 =	sld [smem:$0x3FBA]  }
0x3d: {  	_ =	shalt  }
0x3e: {  	_ =	shalt  }
0x3f: {  	_ =	shalt  }
0x40: {  	_ =	shalt  }
0x41: {  	_ =	shalt  }
0x42: {  	_ =	shalt  }
0x43: {  	_ =	shalt  }
0x44: {  	_ =	shalt  }
0x45: {  	_ =	shalt  }
0x46: {  	_ =	shalt  }
0x47: {  	_ =	shalt  }
0x48: {  	_ =	shalt  }
0x49: {  	_ =	shalt  }
0x4a: {  	_ =	shalt  }
0x4b: {  	_ =	shalt  }
0x4c: {  	_ =	shalt  }
0x4d: {  	_ =	shalt  }
0x4e: {  	_ =	shalt  }
0x4f: {  	_ =	shalt  }
0x50: {  	_ =	shalt  }
0x51: {  	_ =	shalt  }
0x52: {  	_ =	shalt  }
0x53: {  	_ =	shalt  }
0x54: {  	_ =	shalt  }
0x55: {  	_ =	shalt  }
0x56: {  	_ =	shalt  }
0x57: {  	_ =	shalt  }
0x58: {  	_ =	shalt  }
0x59: {  	_ =	shalt  }
0x5a: {  	_ =	shalt  }
0x5b: {  	_ =	shalt  }
0x5c: {  	_ =	shalt  }
0x5d: {  	_ =	shalt  }
0x5e: {  	_ =	shalt  }
0x5f: {  	_ =	shalt  }
0x60: {  	_ =	shalt  }
0x61: {  	_ =	shalt  }
0x62: {  	_ =	shalt  }
0x63: {  	_ =	shalt  }
0x64: {  	_ =	shalt  }
0x65: {  	_ =	shalt  }
0x66: {  	_ =	shalt  }
0x67: {  	_ =	shalt  }
0x68: {  	_ =	shalt  }
0x69: {  	_ =	shalt  }
0x6a: {  	_ =	shalt  }
0x6b: {  	_ =	shalt  }
0x6c: {  	_ =	shalt  }
0x6d: {  	_ =	shalt  }
0x6e: {  	_ =	shalt  }
0x6f: {  	_ =	shalt  }
0x70: {  	_ =	shalt  }
0x71: {  	_ =	shalt  }
0x72: {  	_ =	shalt  }
0x73: {  	_ =	shalt  }
0x74: {  	_ =	shalt  }
0x75: {  	_ =	shalt  }
0x76: {  	_ =	shalt  }
0x77: {  	_ =	shalt  }
0x78: {  	_ =	shalt  }
0x79: {  	_ =	shalt  }
0x7a: {  	_ =	shalt  }
0x7b: {  	_ =	shalt  }
0x7c: {  	_ =	shalt  }
0x7d: {  	_ =	shalt  }
0x7e: {  	_ =	shalt  }
0x7f: {  	_ =	shalt  }
0x80: {  	_ =	shalt  }
0x81: {  	_ =	shalt  }
0x82: {  	_ =	shalt  }
0x83: {  	_ =	shalt  }
0x84: {  	_ =	shalt  }
0x85: {  	_ =	shalt  }
0x86: {  	_ =	shalt  }
0x87: {  	_ =	shalt  }
.Lfunc_end0:
.L_simem_size_0:
called_computation_lowered:
.L_overlay_start_0:
0x88: {  	s2 =	sld [smem:$0x3FD9]  }
0x89: {  	s3 =	sld [smem:$0x3FFE];
	_ =	sdelay $0x1  }
0x8a: {  	s1 =	srdreg.scid  }
0x8b: {  	s0 =	sand.u32 $0x1, s1  }
0x8c: {  	s17 =	sshll.u32 s0, $0xA;
	s2 =	sadd.s32 s3, s2  }
0x8d: {  	s2 =	sadd.s32 s2, s17  }
0x8e: {  	[smem:$0x3FC6] =	sst s2  }
0x8f: {  	_ = 	snop  }
0x90: {  	s2 =	sld [smem:$0x3FC9]  }
0x91: {  	s18 =	sld [smem:$0x3FC8];
	(tm) =	ssettm $0x1  }
0x92: {  	s4 =	sld [smem:$0x3FFB];
	_ =	sdelay $0x3  }
0x93: {  	_ =	strace s4  }
0x94: {  	s4 =	sld [smem:$0x3FFC];
	_ =	sdelay $0x3  }
0x95: {  	_ =	strace s4  }
0x96: {  	s4 =	sld [smem:$0x3FFD];
	_ =	sdelay $0x3  }
0x97: {  	_ =	strace s4  }
0x98: {  	_ =	strace $0x8FFFFFFF  }
0x99: {  	s19 =	sld [smem:$0x3FDB];
	_ =	sdelay $0x1  }
0x9a: {  	s5 =	simm.s32 $_scs_section_size  }
0x9b: {  	s6 =	simm.s32 $_size__tile_overlayer_lowered;
	s7 =	simm.s32 $_tile_overlayer_lowered  }
0x9c: {  	s22 =	simm.s32 $0x1BFF;
	s21 =	sshll.u32 s7, $0x1;
	s4 =	sadd.s32 s5, s19  }
0x9d: {  	s8 =	simm.s32 $0x0;
	s20 =	sshll.u32 s6, $0x1;
	s6 =	sadd.s32 s21, s4  }
0x9e: {  	[timem:s8], [sflag:s22] =	dma.local [hbm:s6], s20  }
0x9f: {  	_ =	swait.ge [sflag:s22], s20  }
0xa0: {  	s5 =	ssub.s32 $0x0, s20;
	[sflag:s22] =	ssyncset.done $0x0  }
0xa1: {  	[sflag:s22] =	ssyncadd.s32 s5;
	_ =	sdelay $0x1  }
0xa2: {  	s23 =	simm.s32 $0x1B8B  }
0xa3: {  	_ =	swait.ge [sflag:s23], $0x1  }
0xa4: {  	[sflag:s23] =	ssyncset.done $0x0  }
0xa5: {  	s25 =	simm.s32 $0x1B8E;
	s24 =	sld [smem:$0x3FFE];
	[sflag:s23] =	ssyncadd.s32 $0xFFFFFFFF  }
0xa6: {  	s26 =	simm.s32 $execute0_lowered;
	[smem:$0x3FD2] =	sst s25  }
0xa7: {  	s6 =	sshll.u32 s26, $0x1;
	_ =	strace $0x80000046;
	[dreg:$0x1] =	wrdreg $0xFFFFFFFF  }
0xa8: {  	s28 =	simm.s32 $_size_execute0_lowered;
	s4 =	sadd.s32 s4, s6;
	[dreg:$0x0] =	wrdreg $0x0  }
0xa9: {  	s6 =	sshll.u32 s28, $0x1;
	[dreg:$0x2] =	wrdreg s4  }
0xaa: {  	[dreg:$0x3] =	wrdreg s6  }
0xab: {  	[dreg:$0x4] =	wrdreg $0xC0  }
0xac: {  	_ =	task [dreg:s8], $0x5FFFF  }
0xad: {  	[dreg:$0x1] =	wrdreg $0xFFFFFFFF  }
0xae: {  	[dreg:$0x0] =	wrdreg $0x60  }
0xaf: {  	[dreg:$0x2] =	wrdreg s2  }
0xb0: {  	[dreg:$0x3] =	wrdreg s18  }
0xb1: {  	[dreg:$0x4] =	wrdreg s24  }
0xb2: {  	[dreg:$0x5] =	wrdreg $0x48800  }
0xb3: {  	[dreg:$0x6] =	wrdreg $0x9  }
0xb4: {  	_ =	task.clear_ibuf [dreg:s8], $0x7FFFF;
	_ =	strace $0x90000046  }
0xb5: {  	s29 =	simm.s32 $0x9;
	_ =	strace $0x80000048  }
0xb6: {  	_ =	swait.ge [sflag:s29], $0x1  }
0xb7: {  	[sflag:s29] =	ssyncadd.s32 $0xFFFFFFFF  }
0xb8: {  	_ =	strace $0x90000048  }
0xb9: {  	_ =	sfence  }
0xba: {  	s30 =	sld [smem:$0x0];
	_ =	sdelay $0x2  }
0xbb: {  	s31 =	sshll.u32 s1, $0xD;
	s1 =	sshrl.u32 s1, $0x2  }
0xbc: {  	s3 =	sand.u32 $0x4000, s31;
	s1 =	sadd.s32 s1, s30  }
0xbd: {  	s0 =	sor.u32 s3, s0;
	s1 =	sshll.u32 s1, $0x11  }
0xbe: {  	s0 =	sor.u32 s1, s0  }
0xbf: {  	s0 =	sadd.s32 $0x8F2B, s0  }
0xc0: {  	[sflag:s0] =	ssyncadd.remote.s32 $0x1  }
0xc1: {  	_ =	sfence.sel $0xFFFF  }
0xc2: {  	[dreg:$0x0] =	wrdreg $0xFFFFFFFF;
	(pc) =	sbr.abs _section_cstart, $3  }
0xc3: {  	[dreg:$0x1] =	wrdreg $0xFFFFFFFF  }
0xc4: {  	_ =	task.clear_ibuf [dreg:s8], $0x2FFFF;
	_ =	strace $0x9FFFFFFF  }
0xc5: {  	(tm) =	ssettm $0x7FFFFFFF  }
tec
execute0_lowered:
.L_overlay_start_1:
0x0: {  	(tag) =	ssettag $0x1  }
0x1: {  	s0 =	rddreg [dreg:$0x0]  }
0x2: {  	s1 =	rddreg [dreg:$0x2]  }
0x3: {  	s10 =	stileid.u32;
	s2 =	srdreg.scid  }
0x4: {  	s3 =	rddreg [dreg:$0x3];
	s4 =	simm.s32 $0x0;
	s12 =	simm.s32 $0x2  }
0x5: {  	s15 =	simm.s32 $0x3;
	s16 =	simm.s32 $0x4CE0;
	s17 =	simm.s32 $0x4F60  }
0x6: {  	s18 =	simm.s32 $0x51E0;
	s19 =	simm.s32 $0x80;
	s20 =	simm.s32 $0x5460  }
0x7: {  	s28 =	simm.s32 $0x116E0;
	s29 =	simm.s32 $0x5660;
	s5 =	smul.u32 $0x5000, s10  }
0x8: {  	s30 =	simm.s32 $0x156E0;
	s2 =	sand.u32 $0x1, s2;
	s8 =	smul.u32 $0x500, s10  }
0x9: {  	s31 =	simm.s32 $0x1;
	[smem:$0x7FF] =	sst s4;
	s6 =	smul.u32 $0x2800, s2  }
0xa: {  	s22 =	sshll.u32 s10, $0x1;
	s7 =	ssub.s32 $0x2, s2;
	s2 =	smul.u32 $0x280, s2  }
0xb: {  	_ =	strace $0x80000047;
	[dreg:$0x5] =	wrdreg s22;
	s9 =	sshrl.u32 s7, $0x1  }
0xc: {  	s22 =	simm.s32 $0x54E0;
	s1 =	sadd.s32 s5, s1;
	s21 =	ssub.s32 s7, s9  }
0xd: {  	s1 =	sadd.s32 s6, s1;
	s2 =	sadd.s32 s2, s8;
	s5 =	smax.u32 s21, $0x1  }
0xe: {  	s1 =	sadd.s32 $0x400, s1;
	s23 =	sshrl.u32 s2, $0x3;
	s24 =	sadd.s32 $0x249F00, s2  }
0xf: {  	s25 =	sadd.s32 $0x186A00, s2;
	s2 =	sadd.s32 $0xC3500, s2;
	[dreg:$0x6] =	wrdreg s5  }
.Ltmp0:
0x10: {  	s21 =	simm.s32 $0x56E0;
	[dreg:$0x7] =	wrdreg s1;
	(pc) =	sbr.rel .LBB2_1-.Ltmp0, $4  }
0x11: {  	s8 =	sadd.s32 s23, s0;
	s1 =	sshrl.u32 s24, $0x3;
	s5 =	sshrl.u32 s25, $0x3  }
0x12: {  	s26 =	sshrl.u32 s2, $0x3;
	s23 =	simm.s32 $0x96E0;
	s24 =	simm.s32 $0x5560  }
0x13: {  	s25 =	simm.s32 $0xD6E0;
	s9 =	sadd.s32 s1, s0;
	s10 =	sadd.s32 s5, s0  }
0x14: {  	s11 =	sadd.s32 s26, s0;
	s26 =	simm.s32 $0x55E0;
	s1 =	simm.s32 $0x0  }
.LBB2_9:
0x15: {  	s1 =	rddreg [dreg:$0x8]  }
0x16: {  	s0 =	rddreg [dreg:$0x6];
	s1 =	sadd.s32 $0x1, s1  }
0x17: {  	p0 =	sne.s32 s1, s0  }
.Ltmp1:
0x18: {  	_ = 	snop;
	(pc) =	sbr.rel @!p0 .LBB2_10-.Ltmp1, $1  }
0x19: {  	_ =	sdelay $0x3  }
.LBB2_1:
0x1a: {  	s0 =	smul.u32 $0xAB, s4;
	s7 =	rddreg [dreg:$0x1]  }
0x1b: {  	[tilespmem:s4], [sflag:$0x2] =	stream.linear.gather [hbm4b:s7+s4], $0x3C0, $0x38;
	[tilespmem:$0x196E0] =	vst v63  }
0x1c: {  	s13 =	sshrl.u32 s0, $0xA  }
0x1d: {  	[dreg:$0x8] =	wrdreg s1;
	s1 =	sand.u32 $0x3F, s13  }
0x1e: {  	s1 =	smul.u32 $0x6, s1  }
0x1f: {  	_ =	swait.ge [sflag:s12], $0x3C0  }
0x20: {  	s0 =	sshrl.u32 s0, $0x4;
	[sflag:s12] =	ssyncset.done $0x0;
	s1 =	ssub.s32 $0x0, s1  }
0x21: {  	s2 =	sand.u32 $0xFC0, s0;
	[sflag:s12] =	ssyncadd.s32 $0xFFFFFC40;
	s1 =	sand.u32 $0xFF, s1  }
0x22: {  	v0 =	vld [tilespmem:s2+$0x0];
	s1 =	sshll.u32 s1, $0x6  }
0x23: {  	v1 =	vld [tilespmem:s1+$0x140];
	_ =	sdelay $0x4  }
0x24: {  	v0 =	vadd.f32 v1, v0  }
0x25: {  	s0 =	simm.s32 $0x420  }
0x26: {  	[tilespmem:s0+$0xFFFFFFE0] =	vst v0  }
0x27: {  	v0 =	vld [tilespmem:s2+$0x10]  }
0x28: {  	v1 =	vld [tilespmem:s1+$0x150];
	_ =	sdelay $0x4  }
0x29: {  	v0 =	vadd.f32 v1, v0;
	_ =	sdelay $0x1  }
0x2a: {  	[tilespmem:s0+$0xFFFFFFF0] =	vst v0  }
0x2b: {  	v0 =	vld [tilespmem:s2+$0x20]  }
0x2c: {  	v1 =	vld [tilespmem:s1+$0x160];
	_ =	sdelay $0x4  }
0x2d: {  	v0 =	vadd.f32 v1, v0;
	_ =	sdelay $0x1  }
0x2e: {  	s5 =	simm.s32 $0x1;
	[tilespmem:s0+$0x0] =	vst v0  }
0x2f: {  	s7 =	smul.u32 $0xAB, s5;
	v0 =	vld [tilespmem:s2+$0x30]  }
0x30: {  	v1 =	vld [tilespmem:s1+$0x170]  }
0x31: {  	s6 =	simm.s32 $0x2;
	s14 =	sshrl.u32 s7, $0xA  }
0x32: {  	s13 =	sshrl.u32 s7, $0x4;
	s7 =	simm.s32 $0x420;
	s2 =	sand.u32 $0x3F, s14  }
.LBB2_2:
0x33: {  	s2 =	smul.u32 $0x6, s2  }
0x34: {  	s0 =	sadd.s32 $0x40, s0;
	s14 =	smov.u32 s6;
	s1 =	sadd.s32 $0x1, s6  }
0x35: {  	p0 =	sne.s32 s6, $0x1D;
	v0 =	vadd.f32 v1, v0  }
0x36: {  	s2 =	ssub.s32 s5, s2;
	s5 =	smov.u32 s14  }
0x37: {  	s6 =	sand.u32 $0xFC0, s13;
	s2 =	sand.u32 $0xFF, s2;
	[tilespmem:s7+$0x10] =	vst v0;
	s7 =	smov.u32 s0  }
0x38: {  	v0 =	vld [tilespmem:s6+$0x0];
	s2 =	sshll.u32 s2, $0x6  }
0x39: {  	v1 =	vld [tilespmem:s2+$0x140];
	_ =	sdelay $0x4  }
0x3a: {  	v0 =	vadd.f32 v1, v0;
	_ =	sdelay $0x1  }
0x3b: {  	[tilespmem:s0+$0xFFFFFFE0] =	vst v0  }
0x3c: {  	v0 =	vld [tilespmem:s6+$0x10]  }
0x3d: {  	v1 =	vld [tilespmem:s2+$0x150];
	_ =	sdelay $0x4  }
0x3e: {  	v0 =	vadd.f32 v1, v0;
	_ =	sdelay $0x1  }
0x3f: {  	[tilespmem:s0+$0xFFFFFFF0] =	vst v0  }
0x40: {  	v0 =	vld [tilespmem:s6+$0x20]  }
0x41: {  	v1 =	vld [tilespmem:s2+$0x160];
	_ =	sdelay $0x4  }
0x42: {  	v0 =	vadd.f32 v1, v0;
	_ =	sdelay $0x1  }
0x43: {  	[tilespmem:s0+$0x0] =	vst v0  }
.Ltmp2:
0x44: {  	v0 =	vld [tilespmem:s6+$0x30];
	(pc) =	sbr.rel @p0 .LBB2_2-.Ltmp2, $3  }
0x45: {  	s6 =	smul.u32 $0xAB, s5;
	v1 =	vld [tilespmem:s2+$0x170];
	_ =	sdelay $0x1  }
0x46: {  	s2 =	sshrl.u32 s6, $0xA;
	s13 =	sshrl.u32 s6, $0x4  }
0x47: {  	s6 =	smov.u32 s1;
	s2 =	sand.u32 $0x3F, s2  }
0x48: {  	s1 =	smul.u32 $0x6, s2  }
0x49: {  	v0 =	vadd.f32 v1, v0  }
0x4a: {  	s1 =	ssub.s32 s5, s1  }
0x4b: {  	s6 =	sand.u32 $0xFC0, s13;
	s1 =	sand.u32 $0xFF, s1;
	[tilespmem:s7+$0x10] =	vst v0  }
0x4c: {  	v0 =	vld [tilespmem:s6+$0x0];
	s1 =	sshll.u32 s1, $0x6  }
0x4d: {  	v1 =	vld [tilespmem:s1+$0x140];
	_ =	sdelay $0x4  }
0x4e: {  	v0 =	vadd.f32 v1, v0  }
0x4f: {  	s0 =	sadd.s32 $0x40, s0  }
0x50: {  	[tilespmem:s0+$0xFFFFFFE0] =	vst v0  }
0x51: {  	v0 =	vld [tilespmem:s6+$0x10]  }
0x52: {  	v1 =	vld [tilespmem:s1+$0x150];
	_ =	sdelay $0x4  }
0x53: {  	v0 =	vadd.f32 v1, v0;
	_ =	sdelay $0x1  }
0x54: {  	[tilespmem:s0+$0xFFFFFFF0] =	vst v0  }
0x55: {  	v0 =	vld [tilespmem:s6+$0x20]  }
0x56: {  	v1 =	vld [tilespmem:s1+$0x160];
	_ =	sdelay $0x4  }
0x57: {  	v0 =	vadd.f32 v1, v0;
	_ =	sdelay $0x1  }
0x58: {  	[tilespmem:s0+$0x0] =	vst v0  }
0x59: {  	v0 =	vld [tilespmem:s6+$0x30]  }
0x5a: {  	v1 =	vld [tilespmem:s1+$0x170];
	_ =	sdelay $0x4  }
0x5b: {  	v0 =	vadd.f32 v1, v0;
	_ =	sdelay $0x1  }
0x5c: {  	[tilespmem:s0+$0x10] =	vst v0  }
0x5d: {  	v0 =	vld [tilespmem:$0x2C0]  }
0x5e: {  	v1 =	vld [tilespmem:$0x340]  }
0x5f: {  	v2 =	vld [tilespmem:$0x2D0]  }
0x60: {  	v3 =	vld [tilespmem:$0x350]  }
0x61: {  	v4 =	vld [tilespmem:$0x2E0]  }
0x62: {  	v5 =	vld [tilespmem:$0x360]  }
0x63: {  	v6 =	vld [tilespmem:$0x2F0]  }
0x64: {  	v7 =	vld [tilespmem:$0x370]  }
0x65: {  	v8 =	vld [tilespmem:$0x2C0]  }
0x66: {  	v9 =	vld [tilespmem:$0x380]  }
0x67: {  	v10 =	vld [tilespmem:$0x2D0]  }
0x68: {  	v11 =	vld [tilespmem:$0x390]  }
0x69: {  	v12 =	vld [tilespmem:$0x2E0]  }
0x6a: {  	v13 =	vld [tilespmem:$0x3A0]  }
0x6b: {  	v14 =	vld [tilespmem:$0x2F0]  }
0x6c: {  	v15 =	vld [tilespmem:$0x3B0]  }
0x6d: {  	v16 =	vld [tilespmem:$0x300]  }
0x6e: {  	v17 =	vld [tilespmem:$0x340]  }
0x6f: {  	v18 =	vld [tilespmem:$0x310]  }
0x70: {  	v19 =	vld [tilespmem:$0x350]  }
0x71: {  	v20 =	vld [tilespmem:$0x320]  }
0x72: {  	v56 =	vld [tilespmem:$0x370];
	v0 =	vadd.f32 v1, v0  }
0x73: {  	v57 =	vld [tilespmem:$0x300];
	v2 =	vadd.f32 v3, v2  }
0x74: {  	v58 =	vld [tilespmem:$0x380];
	[tilespmem:$0xB80] =	vst v0;
	v0 =	vadd.f32 v5, v4  }
0x75: {  	v59 =	vld [tilespmem:$0x310];
	[tilespmem:$0xB90] =	vst v2;
	v2 =	vadd.f32 v7, v6  }
0x76: {  	v60 =	vld [tilespmem:$0x390];
	[tilespmem:$0xBA0] =	vst v0;
	v0 =	vadd.f32 v9, v8  }
0x77: {  	v1 =	vld [tilespmem:$0x360];
	[tilespmem:$0xBB0] =	vst v2;
	v2 =	vadd.f32 v11, v10  }
0x78: {  	v3 =	vld [tilespmem:$0x330];
	[tilespmem:$0xBC0] =	vst v0;
	v0 =	vadd.f32 v13, v12  }
0x79: {  	v61 =	vld [tilespmem:$0x320];
	[tilespmem:$0xBD0] =	vst v2;
	v2 =	vadd.f32 v15, v14  }
0x7a: {  	v62 =	vld [tilespmem:$0x3A0];
	[tilespmem:$0xBE0] =	vst v0;
	v0 =	vadd.f32 v17, v16  }
0x7b: {  	v63 =	vld [tilespmem:$0x330];
	[tilespmem:$0xBF0] =	vst v2;
	v2 =	vadd.f32 v19, v18  }
0x7c: {  	[tilespmem:$0xC00] =	vst v0;
	v0 =	vadd.f32 v1, v20;
	v1 =	vld [tilespmem:$0x3B0]  }
0x7d: {  	[tilespmem:$0xC10] =	vst v2;
	v2 =	vadd.f32 v56, v3  }
0x7e: {  	[tilespmem:$0xC20] =	vst v0;
	v0 =	vadd.f32 v58, v57  }
0x7f: {  	[tilespmem:$0xC30] =	vst v2;
	v2 =	vadd.f32 v60, v59  }
0x80: {  	[tilespmem:$0xC40] =	vst v0;
	v0 =	vadd.f32 v62, v61  }
0x81: {  	[tilespmem:$0xC50] =	vst v2;
	v1 =	vadd.f32 v1, v63  }
0x82: {  	s0 =	simm.s32 $0x0;
	[tilespmem:$0xC60] =	vst v0  }
0x83: {  	s13 =	sand.u32 $0x7C0, s0;
	[tilespmem:$0xC70] =	vst v1  }
0x84: {  	s14 =	sand.u32 $0xC0, s0;
	v0 =	vld [tilespmem:s13+$0x400]  }
0x85: {  	v1 =	vld [tilespmem:s14+$0xB80];
	_ =	sdelay $0x4  }
0x86: {  	v0 =	vadd.f32 v1, v0  }
0x87: {  	s5 =	simm.s32 $0xCA0  }
0x88: {  	[tilespmem:s5+$0xFFFFFFE0] =	vst v0  }
0x89: {  	v0 =	vld [tilespmem:s13+$0x410]  }
0x8a: {  	v1 =	vld [tilespmem:s14+$0xB90];
	_ =	sdelay $0x4  }
0x8b: {  	v0 =	vadd.f32 v1, v0;
	_ =	sdelay $0x1  }
0x8c: {  	[tilespmem:s5+$0xFFFFFFF0] =	vst v0  }
0x8d: {  	v0 =	vld [tilespmem:s13+$0x420]  }
0x8e: {  	v1 =	vld [tilespmem:s14+$0xBA0];
	_ =	sdelay $0x4  }
0x8f: {  	v0 =	vadd.f32 v1, v0;
	_ =	sdelay $0x1  }
0x90: {  	[tilespmem:s5+$0x0] =	vst v0  }
0x91: {  	v0 =	vld [tilespmem:s13+$0x430]  }
0x92: {  	s7 =	simm.s32 $0x40;
	s6 =	simm.s32 $0xCA0;
	v1 =	vld [tilespmem:s14+$0xBB0]  }
.LBB2_4:
0x93: {  	_ =	sdelay $0x1  }
0x94: {  	p0 =	sne.s32 s7, $0x1DC0;
	s0 =	sadd.s32 $0x10, s0;
	s5 =	sadd.s32 $0x80, s5  }
0x95: {  	s1 =	smov.u32 s7;
	s7 =	sadd.s32 $0x40, s7  }
0x96: {  	v0 =	vadd.f32 v1, v0;
	_ =	sdelay $0x1  }
0x97: {  	s2 =	sand.u32 $0x7C0, s0;
	s1 =	sand.u32 $0xC0, s1;
	[tilespmem:s6+$0x10] =	vst v0;
	s6 =	smov.u32 s5  }
0x98: {  	v0 =	vld [tilespmem:s2+$0x400]  }
0x99: {  	v1 =	vld [tilespmem:s1+$0xB80];
	_ =	sdelay $0x4  }
0x9a: {  	v0 =	vadd.f32 v1, v0;
	_ =	sdelay $0x1  }
0x9b: {  	[tilespmem:s5+$0xFFFFFFE0] =	vst v0  }
0x9c: {  	v0 =	vld [tilespmem:s2+$0x410]  }
0x9d: {  	v1 =	vld [tilespmem:s1+$0xB90];
	_ =	sdelay $0x4  }
0x9e: {  	v0 =	vadd.f32 v1, v0;
	_ =	sdelay $0x1  }
0x9f: {  	[tilespmem:s5+$0xFFFFFFF0] =	vst v0  }
0xa0: {  	v0 =	vld [tilespmem:s2+$0x420]  }
0xa1: {  	v1 =	vld [tilespmem:s1+$0xBA0];
	_ =	sdelay $0x4  }
.Ltmp3:
0xa2: {  	v0 =	vadd.f32 v1, v0;
	(pc) =	sbr.rel @p0 .LBB2_4-.Ltmp3, $4  }
0xa3: {  	_ = 	snop  }
0xa4: {  	[tilespmem:s5+$0x0] =	vst v0  }
0xa5: {  	v0 =	vld [tilespmem:s2+$0x430]  }
0xa6: {  	v1 =	vld [tilespmem:s1+$0xBB0]  }
0xa7: {  	_ =	sdelay $0x3  }
0xa8: {  	v0 =	vadd.f32 v1, v0;
	_ =	sdelay $0x1  }
0xa9: {  	s0 =	simm.s32 $0xC80;
	[tilespmem:s6+$0x10] =	vst v0  }
0xaa: {  	[spmem:s3] =	stream.linear.scatter [tilespmem:s0], [sflag:$0x2], $0x3C00, $0x38;
	[tilespmem:$0x196E0] =	vst v63  }
0xab: {  	_ =	swait.ge [sflag:s12], $0x3C00  }
.Ltmp4:
0xac: {  	[sflag:s12] =	ssyncset.done $0x0;
	(pc) =	sbr.rel .LBB2_6-.Ltmp4, $4  }
0xad: {  	[sflag:s12] =	ssyncadd.s32 $0xFFFFC400  }
0xae: {  	[bflag:$0x0] =	sbarrier.arrive $0xFFFF  }
0xaf: {  	s7 =	rddreg [dreg:$0x7]  }
0xb0: {  	s2 =	simm.s32 $0x4A60;
	s0 =	simm.s32 $0x0;
	s5 =	rddreg [dreg:$0x5]  }
.LBB2_8:
0xb1: {  	s0 =	sadd.s32 $0xA00, s0  }
0xb2: {  	p0 =	sne.s32 s0, $0x19000  }
.Ltmp5:
0xb3: {  	_ = 	snop;
	(pc) =	sbr.rel @!p0 .LBB2_9-.Ltmp5, $2  }
0xb4: {  	_ =	sdelay $0x2  }
0xb5: {  	s5 =	sadd.s32 $0x20, s5;
	s7 =	sadd.s32 $0x50000, s7  }
.LBB2_6:
0xb6: {  	p0 =	sgt.u32 s5, $0x4E1  }
.Ltmp6:
0xb7: {  	_ = 	snop;
	(pc) =	sbr.rel @p0 .LBB2_8-.Ltmp6, $1  }
0xb8: {  	_ =	sdelay $0x3  }
0xb9: {  	s1 =	sadd.s32 s0, s8  }
0xba: {  	[tilespmem:s2], [sflag:$0x3] =	stream.linear.gather [hbm4b:s1+s4], $0x280, $0x38;
	[tilespmem:$0x196E0] =	vst v63  }
0xbb: {  	_ =	swait.ge [sflag:s15], $0x280  }
0xbc: {  	[sflag:s15] =	ssyncset.done $0x0  }
0xbd: {  	s6 =	sadd.s32 s0, s11;
	[sflag:s15] =	ssyncadd.s32 $0xFFFFFD80  }
0xbe: {  	[tilespmem:s16], [sflag:$0x3] =	stream.linear.gather [hbm4b:s6+s4], $0x280, $0x38;
	[tilespmem:$0x196E0] =	vst v63  }
0xbf: {  	_ =	swait.ge [sflag:s15], $0x280  }
0xc0: {  	[sflag:s15] =	ssyncset.done $0x0  }
0xc1: {  	s13 =	sadd.s32 s0, s10;
	[sflag:s15] =	ssyncadd.s32 $0xFFFFFD80  }
0xc2: {  	[tilespmem:s17], [sflag:$0x3] =	stream.linear.gather [hbm4b:s13+s4], $0x280, $0x38;
	[tilespmem:$0x196E0] =	vst v63  }
0xc3: {  	_ =	swait.ge [sflag:s15], $0x280  }
0xc4: {  	[sflag:s15] =	ssyncset.done $0x0  }
0xc5: {  	s14 =	sadd.s32 s0, s9;
	[sflag:s15] =	ssyncadd.s32 $0xFFFFFD80  }
0xc6: {  	[tilespmem:s18], [sflag:$0x3] =	stream.linear.gather [hbm4b:s14+s4], $0x280, $0x38;
	[tilespmem:$0x196E0] =	vst v63  }
0xc7: {  	_ =	swait.ge [sflag:s15], $0x280  }
0xc8: {  	[sflag:s15] =	ssyncset.done $0x0  }
0xc9: {  	[sflag:s15] =	ssyncadd.s32 $0xFFFFFD80  }
0xca: {  	v0 =	vld [tilespmem:$0x4A60]  }
0xcb: {  	v1 =	vld [tilespmem:$0x4CE0]  }
0xcc: {  	v2 =	vld [tilespmem:$0x4F60]  }
0xcd: {  	v3 =	vld [tilespmem:$0x51E0]  }
0xce: {  	v4 =	vld [tilespmem:$0x4A70]  }
0xcf: {  	v5 =	vld [tilespmem:$0x4CF0]  }
0xd0: {  	v6 =	vld [tilespmem:$0x4F70]  }
0xd1: {  	v7 =	vld [tilespmem:$0x51F0]  }
0xd2: {  	v8 =	vld [tilespmem:$0x4A80]  }
0xd3: {  	v9 =	vld [tilespmem:$0x4D00]  }
0xd4: {  	v10 =	vld [tilespmem:$0x4F80]  }
0xd5: {  	v11 =	vld [tilespmem:$0x5200]  }
0xd6: {  	v27 =	vld [tilespmem:$0x4A90]  }
0xd7: {  	v31 =	vld [tilespmem:$0x4D10]  }
0xd8: {  	v32 =	vld [tilespmem:$0x4F90]  }
0xd9: {  	v33 =	vld [tilespmem:$0x5210]  }
0xda: {  	v34 =	vld [tilespmem:$0x4AA0]  }
0xdb: {  	v35 =	vld [tilespmem:$0x4D20]  }
0xdc: {  	v36 =	vld [tilespmem:$0x4FA0]  }
0xdd: {  	v37 =	vld [tilespmem:$0x5220]  }
0xde: {  	v38 =	vld [tilespmem:$0x4AB0]  }
0xdf: {  	v39 =	vld [tilespmem:$0x4D30]  }
0xe0: {  	v40 =	vld [tilespmem:$0x4FB0]  }
0xe1: {  	v41 =	vld [tilespmem:$0x5230]  }
0xe2: {  	v42 =	vld [tilespmem:$0x4AC0]  }
0xe3: {  	v43 =	vld [tilespmem:$0x4D40]  }
0xe4: {  	v44 =	vld [tilespmem:$0x4FC0]  }
0xe5: {  	v45 =	vld [tilespmem:$0x5240]  }
0xe6: {  	v46 =	vld [tilespmem:$0x4AD0]  }
0xe7: {  	v47 =	vld [tilespmem:$0x4D50]  }
0xe8: {  	v48 =	vld [tilespmem:$0x4FD0]  }
0xe9: {  	v49 =	vld [tilespmem:$0x5250]  }
0xea: {  	v50 =	vld [tilespmem:$0x4AE0]  }
0xeb: {  	v51 =	vld [tilespmem:$0x4D60]  }
0xec: {  	v52 =	vld [tilespmem:$0x4FE0]  }
0xed: {  	v53 =	vld [tilespmem:$0x5260]  }
0xee: {  	v54 =	vld [tilespmem:$0x4AF0]  }
0xef: {  	v55 =	vld [tilespmem:$0x4D70]  }
0xf0: {  	v56 =	vld [tilespmem:$0x4FF0]  }
0xf1: {  	v57 =	vld [tilespmem:$0x5270]  }
0xf2: {  	v58 =	vld [tilespmem:$0x4B00]  }
0xf3: {  	v25 =	vld [tilespmem:$0x52D0]  }
0xf4: {  	v59 =	vld [tilespmem:$0x4D80]  }
0xf5: {  	v60 =	vld [tilespmem:$0x5000]  }
0xf6: {  	v61 =	vld [tilespmem:$0x5280]  }
0xf7: {  	v62 =	vld [tilespmem:$0x4B10]  }
0xf8: {  	[tilespmem:$0x1FFA0] =	vst v25;
	v25 =	vld [tilespmem:$0x4DE0]  }
0xf9: {  	v63 =	vld [tilespmem:$0x4D90]  }
0xfa: {  	v13 =	vld [tilespmem:$0x5010]  }
0xfb: {  	v20 =	vld [tilespmem:$0x5290]  }
0xfc: {  	v12 =	vld [tilespmem:$0x4B20]  }
0xfd: {  	[tilespmem:$0x1FF70] =	vst v25;
	v25 =	vld [tilespmem:$0x5060]  }
0xfe: {  	v14 =	vld [tilespmem:$0x4DA0]  }
0xff: {  	v16 =	vld [tilespmem:$0x5020]  }
0x100: {  	v24 =	vld [tilespmem:$0x52A0]  }
0x101: {  	v15 =	vld [tilespmem:$0x4B30]  }
0x102: {  	[tilespmem:$0x1FF80] =	vst v25;
	v25 =	vld [tilespmem:$0x52E0]  }
0x103: {  	v17 =	vld [tilespmem:$0x4DB0]  }
0x104: {  	v19 =	vld [tilespmem:$0x5030]  }
0x105: {  	v18 =	vld [tilespmem:$0x52B0]  }
0x106: {  	v21 =	vld [tilespmem:$0x4DC0]  }
0x107: {  	[tilespmem:$0x1FFD0] =	vst v25;
	v25 =	vld [tilespmem:$0x4B70]  }
0x108: {  	v23 =	vld [tilespmem:$0x5040]  }
0x109: {  	v22 =	vld [tilespmem:$0x52C0]  }
0x10a: {  	v30 =	vld [tilespmem:$0x4DD0]  }
0x10b: {  	v26 =	vld [tilespmem:$0x5070]  }
0x10c: {  	[tilespmem:$0x1FF90] =	vst v25;
	v25 =	vld [tilespmem:$0x4DF0]  }
0x10d: {  	v28 =	vld [tilespmem:$0x5050]  }
0x10e: {  	v29 =	vld [tilespmem:$0x4B60];
	[tilespmem:$0x1FF50] =	vst v18  }
0x10f: {  	v18 =	vld [tilespmem:$0x4B40];
	[tilespmem:$0x1FF60] =	vst v22  }
0x110: {  	v22 =	vld [tilespmem:$0x4B50];
	[tilespmem:$0x1FFC0] =	vst v26  }
0x111: {  	v26 =	vshll.u32 v1, $0x2;
	v1 =	vld [tilespmem:$0x52F0];
	[tilespmem:$0x1FFB0] =	vst v25;
	v25 =	vmul.u32 $0x18, v0  }
0x112: {  	v2 =	vshll.u32 v2, $0x1;
	v0 =	vmul.u32 $0x18, v4;
	v4 =	vld [tilespmem:$0x4E00]  }
0x113: {  	v5 =	vshll.u32 v5, $0x2;
	v9 =	vshll.u32 v9, $0x2;
	v26 =	vadd.s32 v25, v26;
	v25 =	vld [tilespmem:$0x4B80]  }
0x114: {  	v0 =	vadd.s32 v0, v5;
	v5 =	vshll.u32 v6, $0x1;
	v6 =	vmul.u32 $0x18, v8;
	v8 =	vld [tilespmem:$0x4B90]  }
0x115: {  	v2 =	vadd.s32 v2, v26;
	v26 =	vld [tilespmem:$0x5080];
	v0 =	vadd.s32 v5, v0;
	v5 =	vshll.u32 v10, $0x1  }
0x116: {  	v2 =	vadd.s32 v3, v2;
	v0 =	vadd.s32 v7, v0;
	v7 =	vshll.u32 v31, $0x2;
	v31 =	vld [tilespmem:$0x4E10]  }
0x117: {  	v3 =	vadd.s32 v6, v9;
	v6 =	vmul.u32 $0x18, v27;
	v9 =	vshll.u32 v32, $0x1;
	v32 =	vld [tilespmem:$0x5090]  }
0x118: {  	[tilespmem:$0x1FFE0] =	vst v2;
	v2 =	vld [tilespmem:$0x5300];
	v27 =	vadd.s32 v5, v3  }
0x119: {  	v10 =	vmul.u32 $0x18, v34;
	v3 =	vadd.s32 v6, v7;
	v34 =	vadd.s32 v11, v27;
	v27 =	vld [tilespmem:$0x5310]  }
0x11a: {  	[tilespmem:$0x1FFF0] =	vst v0;
	v7 =	vshll.u32 v35, $0x2;
	v11 =	vmul.u32 $0x18, v38;
	v35 =	vld [tilespmem:$0x4BA0];
	v0 =	vadd.s32 v9, v3  }
0x11b: {  	v38 =	vld [tilespmem:$0x50A0];
	v9 =	vadd.s32 v10, v7;
	v10 =	vshll.u32 v36, $0x1;
	v3 =	vadd.s32 v33, v0  }
0x11c: {  	v36 =	vld [tilespmem:$0x4E20];
	v33 =	vadd.s32 v10, v9;
	v9 =	vshll.u32 v39, $0x2;
	v10 =	vshll.u32 v40, $0x1  }
0x11d: {  	v40 =	vshll.u32 v43, $0x2;
	v39 =	vld [tilespmem:$0x4BB0];
	v5 =	vadd.s32 v11, v9;
	v11 =	vmul.u32 $0x18, v42  }
0x11e: {  	v43 =	vshll.u32 v44, $0x1;
	v44 =	vmul.u32 $0x18, v46;
	v33 =	vadd.s32 v37, v33;
	v37 =	vld [tilespmem:$0x5320]  }
0x11f: {  	v46 =	vshll.u32 v47, $0x2;
	v0 =	vadd.s32 v10, v5;
	v42 =	vadd.s32 v11, v40;
	v40 =	vld [tilespmem:$0x4E30]  }
0x120: {  	v47 =	vadd.s32 v44, v46;
	v44 =	vshll.u32 v48, $0x1;
	v5 =	vadd.s32 v41, v0;
	v41 =	vld [tilespmem:$0x50B0]  }
0x121: {  	v47 =	vadd.s32 v44, v47;
	v44 =	vld [tilespmem:$0x4E40]  }
0x122: {  	v46 =	vmul.u32 $0x18, v50;
	v0 =	vadd.s32 v43, v42;
	v42 =	vld [tilespmem:$0x5330]  }
0x123: {  	v48 =	vshll.u32 v51, $0x2;
	v43 =	vld [tilespmem:$0x4BC0]  }
0x124: {  	v50 =	vadd.s32 v46, v48;
	v46 =	vld [tilespmem:$0x5340]  }
0x125: {  	v51 =	vshll.u32 v52, $0x1;
	v52 =	vmul.u32 $0x18, v54;
	v7 =	vadd.s32 v49, v47;
	v47 =	vld [tilespmem:$0x50D0]  }
0x126: {  	v12 =	vmul.u32 $0x18, v12;
	v48 =	vshll.u32 v55, $0x2;
	v6 =	vadd.s32 v45, v0;
	v45 =	vld [tilespmem:$0x50C0]  }
0x127: {  	v49 =	vshll.u32 v56, $0x1;
	v55 =	vshll.u32 v14, $0x2;
	v9 =	vadd.s32 v52, v48;
	v48 =	vld [tilespmem:$0x4BD0]  }
0x128: {  	v56 =	vshll.u32 v16, $0x1;
	v12 =	vadd.s32 v12, v55;
	v55 =	vmul.u32 $0x18, v29;
	v29 =	vld [tilespmem:$0x5370]  }
0x129: {  	v54 =	vadd.s32 v51, v50;
	v50 =	vmul.u32 $0x18, v58;
	v9 =	vadd.s32 v49, v9;
	v49 =	vld [tilespmem:$0x4E50]  }
0x12a: {  	v0 =	vadd.s32 v53, v54;
	v53 =	vmul.u32 $0x18, v62;
	v62 =	vshll.u32 v23, $0x1;
	v23 =	vld [tilespmem:$0x4BF0]  }
0x12b: {  	v54 =	vshll.u32 v63, $0x2;
	v63 =	vmul.u32 $0x18, v22;
	v22 =	vshll.u32 v30, $0x2;
	v30 =	vld [tilespmem:$0x4E70]  }
0x12c: {  	v51 =	vshll.u32 v59, $0x2;
	v12 =	vadd.s32 v56, v12;
	v56 =	vld [tilespmem:$0x1FF60]  }
0x12d: {  	v10 =	vadd.s32 v50, v51;
	v50 =	vld [tilespmem:$0x5350]  }
0x12e: {  	v51 =	vld [tilespmem:$0x4BE0]  }
0x12f: {  	v52 =	vshll.u32 v60, $0x1;
	v12 =	vadd.s32 v24, v12;
	v24 =	vld [tilespmem:$0x5360]  }
0x130: {  	v10 =	vadd.s32 v52, v10;
	v52 =	vld [tilespmem:$0x4E60]  }
0x131: {  	v11 =	vadd.s32 v53, v54;
	v53 =	vld [tilespmem:$0x50E0]  }
0x132: {  	v13 =	vshll.u32 v13, $0x1;
	v9 =	vadd.s32 v57, v9;
	v54 =	vshll.u32 v28, $0x1;
	v28 =	vld [tilespmem:$0x50F0]  }
0x133: {  	v57 =	vmul.u32 $0x18, v15;
	v15 =	vadd.s32 v63, v22;
	v63 =	vmul.u32 $0x18, v25;
	v25 =	vld [tilespmem:$0x5100]  }
0x134: {  	v58 =	vshll.u32 v17, $0x2;
	v10 =	vadd.s32 v61, v10;
	v61 =	vshll.u32 v21, $0x2;
	v21 =	vld [tilespmem:$0x1FF50]  }
0x135: {  	v11 =	vadd.s32 v13, v11;
	v13 =	vadd.s32 v57, v58;
	v57 =	vld [tilespmem:$0x1FF70]  }
0x136: {  	v58 =	vld [tilespmem:$0x1FF80]  }
0x137: {  	v59 =	vshll.u32 v19, $0x1;
	v60 =	vmul.u32 $0x18, v18;
	v15 =	vadd.s32 v54, v15;
	v54 =	vld [tilespmem:$0x4C00]  }
0x138: {  	v13 =	vadd.s32 v59, v13;
	v59 =	vld [tilespmem:$0x1FF90]  }
0x139: {  	v14 =	vadd.s32 v60, v61;
	v60 =	vld [tilespmem:$0x1FFA0]  }
0x13a: {  	v61 =	vld [tilespmem:$0x1FFB0]  }
0x13b: {  	v14 =	vadd.s32 v62, v14;
	v62 =	vld [tilespmem:$0x1FFC0]  }
0x13c: {  	v14 =	vadd.s32 v56, v14;
	v56 =	vld [tilespmem:$0x5380]  }
0x13d: {  	v4 =	vshll.u32 v4, $0x2;
	v16 =	vshll.u32 v57, $0x2;
	v57 =	vld [tilespmem:$0x1FFD0]  }
0x13e: {  	v8 =	vmul.u32 $0x18, v8;
	v17 =	vshll.u32 v58, $0x1;
	v58 =	vshll.u32 v26, $0x1;
	v26 =	vld [tilespmem:$0x4C10]  }
0x13f: {  	v34 =	vshll.u32 v34, $0x2;
	v4 =	vadd.s32 v63, v4;
	v16 =	vadd.s32 v55, v16;
	v55 =	vld [tilespmem:$0x4E80]  }
0x140: {  	v18 =	vmul.u32 $0x18, v59;
	v15 =	vadd.s32 v60, v15;
	v60 =	vshll.u32 v31, $0x2;
	v31 =	vld [tilespmem:$0x4E90]  }
0x141: {  	v59 =	vadd.s32 v58, v4;
	v58 =	vshll.u32 v41, $0x1;
	v41 =	vld [tilespmem:$0x5130];
	v16 =	vadd.s32 v17, v16  }
0x142: {  	v17 =	vshll.u32 v61, $0x2;
	v4 =	vadd.s32 v8, v60;
	v61 =	vshll.u32 v32, $0x1;
	v32 =	vld [tilespmem:$0x5110]  }
0x143: {  	v8 =	vld [tilespmem:$0x4EA0];
	v17 =	vadd.s32 v18, v17;
	v18 =	vshll.u32 v62, $0x1;
	v62 =	vmul.u32 $0x18, v35  }
0x144: {  	v63 =	vadd.s32 v61, v4;
	v35 =	vshll.u32 v36, $0x2;
	v4 =	vld [tilespmem:$0x5390];
	v17 =	vadd.s32 v18, v17  }
0x145: {  	v18 =	vadd.s32 v2, v59;
	v19 =	vadd.s32 v27, v63;
	v59 =	vmul.u32 $0x18, v43;
	v27 =	vld [tilespmem:$0x5120]  }
0x146: {  	v43 =	vshll.u32 v49, $0x2;
	v49 =	vshll.u32 v53, $0x1;
	v53 =	vshll.u32 v30, $0x2;
	v30 =	vld [tilespmem:$0x4EC0]  }
0x147: {  	v36 =	vshll.u32 v38, $0x1;
	v38 =	vmul.u32 $0x18, v39;
	v2 =	vadd.s32 v62, v35;
	v35 =	vld [tilespmem:$0x4C20]  }
0x148: {  	v16 =	vadd.s32 v57, v16;
	v57 =	vshll.u32 v40, $0x2;
	v39 =	vadd.s32 v36, v2;
	v36 =	vld [tilespmem:$0x53A0]  }
0x149: {  	v3 =	vshll.u32 v3, $0x2;
	v33 =	vshll.u32 v33, $0x2;
	v2 =	vadd.s32 v38, v57;
	v38 =	vld [tilespmem:$0x4C30]  }
0x14a: {  	v6 =	vshll.u32 v6, $0x2;
	v11 =	vadd.s32 v20, v11;
	v20 =	vadd.s32 v37, v39;
	v39 =	vld [tilespmem:$0x4EB0]  }
0x14b: {  	v0 =	vshll.u32 v0, $0x2;
	v28 =	vshll.u32 v28, $0x1;
	v25 =	vshll.u32 v25, $0x1;
	v37 =	vld [tilespmem:$0x53B0]  }
0x14c: {  	v13 =	vadd.s32 v21, v13;
	v61 =	vshll.u32 v44, $0x2;
	v60 =	vadd.s32 v58, v2;
	v58 =	vld [tilespmem:$0x1FFE0]  }
0x14d: {  	v63 =	vmul.u32 $0x18, v48;
	v2 =	vadd.s32 v59, v61;
	v59 =	vmul.u32 $0x18, v26;
	v26 =	vld [tilespmem:$0x4ED0]  }
0x14e: {  	v54 =	vmul.u32 $0x18, v54;
	v62 =	vshll.u32 v45, $0x1;
	v61 =	vshll.u32 v32, $0x1;
	v32 =	vld [tilespmem:$0x53D0]  }
0x14f: {  	v44 =	vshll.u32 v47, $0x1;
	v22 =	vadd.s32 v62, v2;
	v2 =	vadd.s32 v63, v43;
	v43 =	vld [tilespmem:$0x4C40]  }
0x150: {  	v48 =	vshll.u32 v52, $0x2;
	v45 =	vmul.u32 $0x18, v51;
	v21 =	vadd.s32 v42, v60;
	v42 =	vld [tilespmem:$0x5140]  }
0x151: {  	v17 =	vadd.s32 v1, v17;
	v51 =	vmul.u32 $0x18, v23;
	v57 =	vshll.u32 v55, $0x2;
	v60 =	vld [tilespmem:$0x1FFF0]  }
0x152: {  	v31 =	vshll.u32 v31, $0x2;
	v47 =	vadd.s32 v44, v2;
	v2 =	vadd.s32 v45, v48;
	v45 =	vld [tilespmem:$0x5150]  }
0x153: {  	[tilespmem:$0x5480] =	vst v34;
	v8 =	vshll.u32 v8, $0x2;
	v63 =	vshll.u32 v5, $0x2;
	v34 =	vshll.u32 v27, $0x1;
	v27 =	vld [tilespmem:$0x5160]  }
0x154: {  	v22 =	vadd.s32 v46, v22;
	v55 =	vshll.u32 v30, $0x2;
	v30 =	vld [tilespmem:$0x53F0];
	v23 =	vadd.s32 v50, v47  }
0x155: {  	v52 =	vadd.s32 v49, v2;
	v2 =	vadd.s32 v51, v53;
	v62 =	vmul.u32 $0x18, v35;
	v35 =	vld [tilespmem:$0x4C60]  }
0x156: {  	[tilespmem:$0x5490] =	vst v3;
	v47 =	vld [tilespmem:$0x4C70];
	v49 =	vshll.u32 v41, $0x1;
	v51 =	vshll.u32 v9, $0x2;
	v1 =	vadd.s32 v24, v52  }
0x157: {  	[tilespmem:$0x54A0] =	vst v33;
	v50 =	vld [tilespmem:$0x4EF0];
	v2 =	vadd.s32 v28, v2;
	v24 =	vadd.s32 v54, v57;
	v54 =	vshll.u32 v10, $0x2  }
0x158: {  	v53 =	vld [tilespmem:$0x5170];
	[tilespmem:$0x54F0] =	vst v51;
	v51 =	vshll.u32 v20, $0x2;
	v2 =	vadd.s32 v29, v2;
	v40 =	vshll.u32 v58, $0x2  }
0x159: {  	[tilespmem:$0x54C0] =	vst v6;
	v28 =	vld [tilespmem:$0x53C0];
	v24 =	vadd.s32 v25, v24;
	v25 =	vadd.s32 v59, v31;
	v31 =	vadd.s32 v62, v8  }
0x15a: {  	[tilespmem:$0x54E0] =	vst v0;
	v29 =	vld [tilespmem:$0x4C50];
	v46 =	vshll.u32 v39, $0x2;
	v59 =	vshll.u32 v12, $0x2;
	v62 =	vshll.u32 v13, $0x2  }
0x15b: {  	[tilespmem:$0x54B0] =	vst v63;
	v58 =	vld [tilespmem:$0x4C80];
	v63 =	vshll.u32 v26, $0x2;
	v44 =	vshll.u32 v60, $0x2;
	v24 =	vadd.s32 v56, v24  }
0x15c: {  	v39 =	vld [tilespmem:$0x4C90];
	[tilespmem:$0x5460] =	vst v40;
	v25 =	vadd.s32 v61, v25;
	v5 =	vadd.s32 v34, v31;
	v40 =	vmul.u32 $0x18, v38  }
0x15d: {  	[tilespmem:$0x5500] =	vst v54;
	v31 =	vld [tilespmem:$0x53E0];
	v52 =	vmul.u32 $0x18, v43;
	v56 =	vshll.u32 v11, $0x2;
	v57 =	vshll.u32 v42, $0x1  }
0x15e: {  	[tilespmem:$0x55A0] =	vst v51;
	v61 =	vld [tilespmem:$0x4F00];
	v43 =	vshll.u32 v17, $0x2;
	v2 =	vshll.u32 v2, $0x2;
	v4 =	vadd.s32 v4, v25  }
0x15f: {  	v42 =	vld [tilespmem:$0x4F10];
	[tilespmem:$0x5470] =	vst v44;
	v44 =	vshll.u32 v7, $0x2;
	v5 =	vadd.s32 v36, v5;
	v34 =	vshll.u32 v45, $0x1  }
0x160: {  	v25 =	vld [tilespmem:$0x4EE0];
	[tilespmem:$0x5510] =	vst v56;
	v56 =	vshll.u32 v22, $0x2;
	v26 =	vshll.u32 v24, $0x2;
	v48 =	vadd.s32 v40, v46  }
0x161: {  	[tilespmem:$0x5520] =	vst v59;
	v36 =	vld [tilespmem:$0x5400];
	v7 =	vadd.s32 v52, v55;
	v38 =	vmul.u32 $0x18, v35;
	v40 =	vshll.u32 v16, $0x2  }
0x162: {  	v45 =	vld [tilespmem:$0x5190];
	[tilespmem:$0x54D0] =	vst v44;
	v44 =	vshll.u32 v27, $0x1;
	v46 =	vshll.u32 v18, $0x2;
	v47 =	vmul.u32 $0x18, v47  }
0x163: {  	[tilespmem:$0x5530] =	vst v62;
	v22 =	vld [tilespmem:$0x4F30];
	v8 =	vshll.u32 v50, $0x2;
	v9 =	vshll.u32 v53, $0x1;
	v53 =	vshll.u32 v21, $0x2  }
0x164: {  	[tilespmem:$0x5570] =	vst v43;
	v43 =	vld [tilespmem:$0x4F50];
	v6 =	vadd.s32 v49, v48;
	v7 =	vadd.s32 v57, v7;
	v49 =	vshll.u32 v19, $0x2  }
0x165: {  	[tilespmem:$0x55F0] =	vst v2;
	v50 =	vld [tilespmem:$0x4CA0];
	v6 =	vadd.s32 v37, v6;
	v60 =	vmul.u32 $0x18, v29;
	v7 =	vadd.s32 v28, v7  }
0x166: {  	v52 =	vld [tilespmem:$0x4F20];
	[tilespmem:$0x55C0] =	vst v56;
	v29 =	vshll.u32 v14, $0x2;
	v37 =	vshll.u32 v15, $0x2;
	v8 =	vadd.s32 v47, v8  }
0x167: {  	v55 =	vld [tilespmem:$0x51A0];
	[tilespmem:$0x5600] =	vst v26;
	v54 =	vmul.u32 $0x18, v58;
	v58 =	vshll.u32 v23, $0x2;
	v8 =	vadd.s32 v9, v8  }
0x168: {  	[tilespmem:$0x5560] =	vst v40;
	v48 =	vld [tilespmem:$0x5410];
	v12 =	vshll.u32 v61, $0x2;
	v61 =	vshll.u32 v1, $0x2;
	v23 =	vshll.u32 v42, $0x2  }
0x169: {  	v57 =	vld [tilespmem:$0x5420];
	[tilespmem:$0x5540] =	vst v29;
	v29 =	vshll.u32 v4, $0x2;
	v35 =	vshll.u32 v6, $0x2;
	v10 =	vadd.s32 v60, v63  }
0x16a: {  	[tilespmem:$0x5580] =	vst v46;
	v40 =	vld [tilespmem:$0x4CD0];
	v41 =	vshll.u32 v25, $0x2;
	v8 =	vadd.s32 v30, v8;
	v9 =	vadd.s32 v54, v12  }
0x16b: {  	[tilespmem:$0x55B0] =	vst v53;
	v28 =	vld [tilespmem:$0x5180];
	v63 =	vmul.u32 $0x18, v39;
	v27 =	vshll.u32 v45, $0x1;
	v42 =	vshll.u32 v22, $0x2  }
0x16c: {  	[tilespmem:$0x5550] =	vst v37;
	v37 =	vld [tilespmem:$0x51C0];
	v10 =	vadd.s32 v34, v10;
	v13 =	vadd.s32 v38, v41;
	v30 =	vmul.u32 $0x18, v50  }
0x16d: {  	[tilespmem:$0x5590] =	vst v49;
	v60 =	vld [tilespmem:$0x4CB0];
	v33 =	vshll.u32 v52, $0x2;
	v38 =	vshll.u32 v7, $0x2;
	v50 =	vshll.u32 v8, $0x2  }
0x16e: {  	[tilespmem:$0x55D0] =	vst v58;
	v25 =	vld [tilespmem:$0x51B0];
	v10 =	vadd.s32 v32, v10;
	v13 =	vadd.s32 v44, v13;
	v3 =	vadd.s32 v63, v23  }
0x16f: {  	v46 =	vld [tilespmem:$0x51D0];
	[tilespmem:$0x55E0] =	vst v61;
	v32 =	vshll.u32 v5, $0x2;
	v54 =	vmul.u32 $0x18, v40;
	v13 =	vadd.s32 v31, v13  }
0x170: {  	[tilespmem:$0x5610] =	vst v29;
	v34 =	vld [tilespmem:$0x4F40];
	v59 =	vshll.u32 v28, $0x1;
	v3 =	vadd.s32 v27, v3;
	v4 =	vadd.s32 v30, v33  }
0x171: {  	[tilespmem:$0x5630] =	vst v35;
	v31 =	vld [tilespmem:$0x4CC0];
	v41 =	vshll.u32 v10, $0x2;
	v62 =	vadd.s32 v59, v9;
	v3 =	vadd.s32 v48, v3  }
0x172: {  	[tilespmem:$0x5640] =	vst v38;
	v47 =	vshll.u32 v13, $0x2;
	v53 =	vshll.u32 v37, $0x1;
	v1 =	vadd.s32 v36, v62  }
0x173: {  	[tilespmem:$0x5670] =	vst v50;
	v28 =	vld [tilespmem:$0x5430];
	v36 =	vshll.u32 v55, $0x1;
	v39 =	vmul.u32 $0x18, v60;
	v45 =	vshll.u32 v25, $0x1  }
0x174: {  	v52 =	vld [tilespmem:$0x5450];
	[tilespmem:$0x5620] =	vst v32;
	v56 =	vshll.u32 v3, $0x2;
	v60 =	vshll.u32 v46, $0x1;
	v4 =	vadd.s32 v36, v4  }
0x175: {  	[tilespmem:$0x5650] =	vst v41;
	v48 =	vld [tilespmem:$0x5440];
	v49 =	vshll.u32 v34, $0x2;
	v1 =	vshll.u32 v1, $0x2;
	v4 =	vadd.s32 v57, v4  }
0x176: {  	[tilespmem:$0x5660] =	vst v47;
	v44 =	vadd.s32 v39, v42;
	v57 =	vshll.u32 v43, $0x2;
	v9 =	vmul.u32 $0x18, v31  }
0x177: {  	[tilespmem:$0x5690] =	vst v56;
	v0 =	vadd.s32 v45, v44;
	v58 =	vadd.s32 v54, v57;
	v59 =	vshll.u32 v4, $0x2  }
0x178: {  	[tilespmem:$0x5680] =	vst v1;
	v0 =	vadd.s32 v28, v0;
	v2 =	vadd.s32 v60, v58;
	v51 =	vadd.s32 v9, v49  }
0x179: {  	[tilespmem:$0x56A0] =	vst v59;
	v0 =	vshll.u32 v0, $0x2;
	v62 =	vadd.s32 v52, v2;
	v55 =	vadd.s32 v53, v51  }
0x17a: {  	[tilespmem:$0x56B0] =	vst v0;
	v63 =	vshll.u32 v62, $0x2;
	v1 =	vadd.s32 v48, v55  }
0x17b: {  	[tilespmem:$0x56D0] =	vst v63;
	v61 =	vshll.u32 v1, $0x2  }
0x17c: {  	[tilespmem:$0x56C0] =	vst v61  }
0x17d: {  	[tilespmem:s21], [sflag:$0x1] =	stream.indirect.gather [spmem:s3], $0x40, s20, s19, $0xb8;
	[tilespmem:$0x196E0] =	vst v63  }
0x17e: {  	_ = 	snop  }
0x17f: {  	[tilespmem:s23], [sflag:$0x1] =	stream.indirect.gather [spmem:s3], $0x40, s22, s19, $0xb8;
	[tilespmem:$0x196E0] =	vst v63  }
0x180: {  	_ = 	snop  }
0x181: {  	[tilespmem:s25], [sflag:$0x1] =	stream.indirect.gather [spmem:s3], $0x40, s24, s19, $0xb8;
	[tilespmem:$0x196E0] =	vst v63  }
0x182: {  	_ = 	snop  }
0x183: {  	[tilespmem:s28], [sflag:$0x1] =	stream.indirect.gather [spmem:s3], $0x40, s26, s19, $0xb8;
	[tilespmem:$0x196E0] =	vst v63  }
0x184: {  	_ = 	snop  }
0x185: {  	[tilespmem:s30], [sflag:$0x1] =	stream.indirect.gather [spmem:s3], $0x40, s29, s19, $0xb8;
	[tilespmem:$0x196E0] =	vst v63  }
0x186: {  	_ =	swait.ge [sflag:s31], $0x2000  }
0x187: {  	[sflag:s31] =	ssyncset.done $0x0  }
0x188: {  	[sflag:s31] =	ssyncadd.s32 $0xFFFFE000  }
0x189: {  	_ =	swait.ge [sflag:s31], $0x2000  }
0x18a: {  	[sflag:s31] =	ssyncset.done $0x0  }
0x18b: {  	[sflag:s31] =	ssyncadd.s32 $0xFFFFE000  }
0x18c: {  	_ =	swait.ge [sflag:s31], $0x2000  }
0x18d: {  	[sflag:s31] =	ssyncset.done $0x0  }
0x18e: {  	[sflag:s31] =	ssyncadd.s32 $0xFFFFE000  }
0x18f: {  	_ =	swait.ge [sflag:s31], $0x2000  }
0x190: {  	[sflag:s31] =	ssyncset.done $0x0  }
0x191: {  	[sflag:s31] =	ssyncadd.s32 $0xFFFFE000  }
0x192: {  	_ =	swait.ge [sflag:s31], $0x2000  }
0x193: {  	[sflag:s31] =	ssyncset.done $0x0  }
.Ltmp7:
0x194: {  	[sflag:s31] =	ssyncadd.s32 $0xFFFFE000;
	(pc) =	sbr.rel .LBB2_8-.Ltmp7, $4  }
0x195: {  	[hbm4b:s7+s4] =	stream.linear.scatter [tilespmem:s21], [sflag:$0x2], $0x14000, $0x38;
	[tilespmem:$0x196E0] =	vst v63  }
0x196: {  	_ =	swait.ge [sflag:s12], $0x14000  }
0x197: {  	[sflag:s12] =	ssyncset.done $0x0  }
0x198: {  	[sflag:s12] =	ssyncadd.s32 $0xFFFEC000  }
.LBB2_10:
0x199: {  	_ =	sfence.sel $0x180000  }
0x19a: {  	[bflag:$0x0] =	sbarrier.arrive $0xFFFF  }
0x19b: {  	_ =	strace $0x90000047  }
0x19c: {  	s0 =	stileid.u32;
	[bflag:$0x2] =	sbarrier.arrive $0xFFFF  }
0x19d: {  	p0 =	sne.s32 s0, $0x0;
	s0 =	rddreg [dreg:$0x4]  }
0x19e: {  	s0 =	sadd.s32 @!p0 $0x100000, s0  }
0x19f: {  	[sflag:s0] =	ssyncadd.tile.s32 @!p0 $0x1;
	_ =	shalt  }
.Lfunc_end2:
_tile_overlayer_lowered:
.L_overlay_start_2:
0x1a0: {  	(tag) =	ssettag $0x2  }
0x1a1: {  	s0 =	rddreg [dreg:$0x0];
	s2 =	stileid.u32  }
0x1a2: {  	s1 =	rddreg [dreg:$0x1];
	p0 =	sne.s32 s2, $0x0  }
0x1a3: {  	s3 =	rddreg [dreg:$0x2];
	[bflag:$0x3] =	sbarrier.arrive $0xFFFF;
	s2 =	simm.s32 @!p0 $0x1C02  }
0x1a4: {  	[timem:s3], [sflag:s2] =	dma.local @!p0 [hbm:s0], s1  }
0x1a5: {  	s0 =	simm.s32 @!p0 $0x2  }
0x1a6: {  	_ =	swait.ge @!p0 [sflag:s0], s1  }
0x1a7: {  	s1 =	ssub.s32 @!p0 $0x0, s1;
	[sflag:s0] =	ssyncset.done @!p0 $0x0  }
0x1a8: {  	[sflag:s0] =	ssyncadd.s32 @!p0 s1  }
0x1a9: {  	[bflag:$0x3] =	sbarrier.arrive $0xFFFF  }
0x1aa: {  	_ =	shalt  }

</sc_bundles>
